<compile_context>
chip_gen: v7x
topology: tpu7x:2x2x1
jax: 0.10.2.dev20260603
libtpu: 0.0.44.dev20260713+nightly
codegen_flags: <defaults>
</compile_context>

<pallas_src>
import functools

import jax
import jax.numpy as jnp
from jax import lax
from jax.experimental import pallas as pl
from jax.experimental.pallas import tpu as pltpu
from jax.experimental.pallas import tpu_sc as plsc

N_CLUSTERS = 4
HID = 128
N_GRAPHS = 8

NP = 10240
NW = 32
CHUNK = 128
NCHUNK = 79
EP = NW * NCHUNK * CHUNK
ROWS_PER_TILE = NP // 16


def _deg_body(col_hbm, ones_hbm, zeros_hbm, out_hbm, colbuf, onesbuf, acc):
    cid = lax.axis_index("c")
    sid = lax.axis_index("s")
    w = cid * 16 + sid
    base = sid * ROWS_PER_TILE
    pltpu.sync_copy(zeros_hbm.at[pl.ds(base, ROWS_PER_TILE)],
                    acc.at[pl.ds(base, ROWS_PER_TILE)])
    pltpu.sync_copy(col_hbm.at[w], colbuf)
    pltpu.sync_copy(ones_hbm, onesbuf)
    plsc.subcore_barrier()

    def body(j, carry):
        pltpu.sync_copy(onesbuf, acc.at[colbuf.at[j]], add=True)
        return carry

    lax.fori_loop(0, NCHUNK, body, 0)
    plsc.subcore_barrier()
    pltpu.sync_copy(acc.at[pl.ds(base, ROWS_PER_TILE)],
                    out_hbm.at[cid, pl.ds(base, ROWS_PER_TILE)])


def _seg_body(tab_hbm, idx_hbm, col_hbm, zeros_hbm, out_hbm,
              idxbuf, colbuf, rows_v, acc, sem):
    cid = lax.axis_index("c")
    sid = lax.axis_index("s")
    w = cid * 16 + sid
    base = sid * ROWS_PER_TILE
    pltpu.sync_copy(zeros_hbm.at[pl.ds(base, ROWS_PER_TILE)],
                    acc.at[pl.ds(base, ROWS_PER_TILE)])
    pltpu.sync_copy(idx_hbm.at[w], idxbuf)
    pltpu.sync_copy(col_hbm.at[w], colbuf)
    plsc.subcore_barrier()

    def body(j, carry):
        pltpu.async_copy(tab_hbm.at[idxbuf.at[j]], rows_v, sem).wait()
        pltpu.sync_copy(rows_v, acc.at[colbuf.at[j]], add=True)
        return carry

    lax.fori_loop(0, NCHUNK, body, 0)
    plsc.subcore_barrier()
    pltpu.sync_copy(acc.at[pl.ds(base, ROWS_PER_TILE)],
                    out_hbm.at[cid, pl.ds(base, ROWS_PER_TILE)])


@functools.lru_cache(maxsize=None)
def _sc_kernels():
    mesh = plsc.VectorSubcoreMesh(core_axis_name="c", subcore_axis_name="s")
    deg = pl.kernel(
        _deg_body,
        out_type=jax.ShapeDtypeStruct((2, NP, HID), jnp.float32),
        mesh=mesh,
        scratch_types=[
            pltpu.VMEM((NCHUNK, CHUNK), jnp.int32),
            pltpu.VMEM((CHUNK, HID), jnp.float32),
            pltpu.VMEM_SHARED((NP, HID), jnp.float32),
        ],
    )
    seg = pl.kernel(
        _seg_body,
        out_type=jax.ShapeDtypeStruct((2, NP, HID), jnp.float32),
        mesh=mesh,
        scratch_types=[
            pltpu.VMEM((NCHUNK, CHUNK), jnp.int32),
            pltpu.VMEM((NCHUNK, CHUNK), jnp.int32),
            pltpu.VMEM((CHUNK, HID), jnp.float32),
            pltpu.VMEM_SHARED((NP, HID), jnp.float32),
            pltpu.SemaphoreType.DMA,
        ],
    )
    return deg, seg



_BLK = 1024


def _dinv_body(degp_ref, dinv_ref):
    deg = degp_ref[0, :, 0] + degp_ref[1, :, 0] + 1.0
    dinv_ref[...] = lax.rsqrt(deg)[:, None]


def _dinv(degp):
    grid = NP // _BLK
    return pl.pallas_call(
        _dinv_body,
        grid=(grid,),
        in_specs=[pl.BlockSpec((2, _BLK, HID), lambda i: (0, i, 0))],
        out_specs=pl.BlockSpec((_BLK, 1), lambda i: (i, 0)),
        out_shape=jax.ShapeDtypeStruct((NP, 1), jnp.float32),
    )(degp)


def _ys_body(h_ref, dinv_ref, w_ref, ys_ref):
    h = h_ref[...]
    dinv = dinv_ref[...]
    for c in range(N_CLUSTERS):
        ys_ref[c] = dinv * jnp.dot(h, w_ref[c],
                                   preferred_element_type=jnp.float32)


def _ys(h, dinv, w4):
    grid = NP // _BLK
    return pl.pallas_call(
        _ys_body,
        grid=(grid,),
        in_specs=[
            pl.BlockSpec((_BLK, HID), lambda i: (i, 0)),
            pl.BlockSpec((_BLK, 1), lambda i: (i, 0)),
            pl.BlockSpec((N_CLUSTERS, HID, HID), lambda i: (0, 0, 0)),
        ],
        out_specs=pl.BlockSpec((N_CLUSTERS, _BLK, HID), lambda i: (0, i, 0)),
        out_shape=jax.ShapeDtypeStruct((N_CLUSTERS, NP, HID), jnp.float32),
    )(h, dinv, w4)


def _layer_body(emit_x2, seg_ref, ys_ref, dinv_ref, lab_ref, bat_ref,
                *out_refs):
    i = pl.program_id(0)
    lab = lab_ref[...]
    ys_sel = jnp.zeros((_BLK, HID), jnp.float32)
    for c in range(N_CLUSTERS):
        ys_sel = jnp.where(lab == c, ys_ref[c], ys_sel)
    x2 = dinv_ref[...] * (seg_ref[0] + seg_ref[1] + ys_sel)
    x2 = jnp.maximum(x2, 0.0)
    if emit_x2:
        out_refs[0][...] = x2
    pooled_ref = out_refs[-1]
    onehot = (bat_ref[...] == lax.broadcasted_iota(jnp.int32, (1, N_GRAPHS), 1)
              ).astype(jnp.float32)
    p = lax.dot_general(onehot, x2, (((0,), (0,)), ((), ())),
                        preferred_element_type=jnp.float32,
                        precision=lax.Precision.HIGHEST)

    @pl.when(i == 0)
    def _():
        pooled_ref[...] = jnp.zeros_like(pooled_ref)

    pooled_ref[...] += p


def _layer(segp, ys, dinv, lab, batch, emit_x2):
    grid = NP // _BLK
    out_shape = [jax.ShapeDtypeStruct((N_GRAPHS, HID), jnp.float32)]
    out_specs = [pl.BlockSpec((N_GRAPHS, HID), lambda i: (0, 0))]
    if emit_x2:
        out_shape.insert(0, jax.ShapeDtypeStruct((NP, HID), jnp.float32))
        out_specs.insert(0, pl.BlockSpec((_BLK, HID), lambda i: (i, 0)))
    return pl.pallas_call(
        functools.partial(_layer_body, emit_x2),
        grid=(grid,),
        in_specs=[
            pl.BlockSpec((2, _BLK, HID), lambda i: (0, i, 0)),
            pl.BlockSpec((N_CLUSTERS, _BLK, HID), lambda i: (0, i, 0)),
            pl.BlockSpec((_BLK, 1), lambda i: (i, 0)),
            pl.BlockSpec((_BLK, 1), lambda i: (i, 0)),
            pl.BlockSpec((_BLK, 1), lambda i: (i, 0)),
        ],
        out_specs=out_specs,
        out_shape=out_shape,
    )(segp, ys, dinv, lab, batch)


def _head_body(p1_ref, p2_ref, w1_ref, b1_ref, g_ref, b_ref, w2_ref, b2_ref,
               out_ref):
    z = jnp.concatenate([p1_ref[...], p2_ref[...]], axis=1)
    z1 = jnp.dot(z, w1_ref[...], preferred_element_type=jnp.float32) + b1_ref[...]
    mean = jnp.mean(z1, axis=0, keepdims=True)
    var = jnp.mean(jnp.square(z1 - mean), axis=0, keepdims=True)
    zn = (z1 - mean) * lax.rsqrt(var + 1e-5) * g_ref[...] + b_ref[...]
    zn = jnp.maximum(zn, 0.0)
    out_ref[...] = jnp.dot(zn, w2_ref[...],
                           preferred_element_type=jnp.float32) + b2_ref[...]


def _head(p1, p2, w1, b1, gamma, beta, w2, b2):
    return pl.pallas_call(
        _head_body,
        out_shape=jax.ShapeDtypeStruct((N_GRAPHS, 64), jnp.float32),
    )(p1, p2, w1, b1.reshape(1, -1), gamma.reshape(1, -1),
      beta.reshape(1, -1), w2, b2.reshape(1, -1))



def kernel(x, edge_index, batch, conv_w, mlp_w1, mlp_b1, bn_gamma, bn_beta,
           mlp_w2, mlp_b2):
    lab = x[:, :1].astype(jnp.int32)
    h = x[:, 1:]
    n, _ = h.shape

    h_pad = jnp.pad(h, ((0, NP - n), (0, 0)))
    lab_pad = jnp.pad(lab, ((0, NP - n), (0, 0)))
    batch_pad = jnp.pad(batch.astype(jnp.int32), (0, NP - n)).reshape(NP, 1)

    row = edge_index[0].astype(jnp.int32)
    col = edge_index[1].astype(jnp.int32)
    e = row.shape[0]
    rowp = jnp.pad(row, (0, EP - e), constant_values=n)
    colp = jnp.pad(col, (0, EP - e), constant_values=n)
    lab_col = lab_pad[colp, 0]
    fused = (lab_col * NP + rowp).reshape(NW, NCHUNK, CHUNK)
    col3 = colp.reshape(NW, NCHUNK, CHUNK)

    ones128 = jnp.ones((CHUNK, HID), jnp.float32)
    zeros128 = jnp.zeros((NP, HID), jnp.float32)

    deg_kernel, seg_kernel = _sc_kernels()
    degp = deg_kernel(col3, ones128, zeros128)
    dinv = _dinv(degp)

    ys1 = _ys(h_pad, dinv, conv_w[:N_CLUSTERS]).reshape(N_CLUSTERS * NP, HID)
    segp1 = seg_kernel(ys1, fused, col3, zeros128)
    x2, pooled1 = _layer(segp1, ys1.reshape(N_CLUSTERS, NP, HID), dinv,
                         lab_pad, batch_pad, emit_x2=True)

    ys2 = _ys(x2, dinv, conv_w[N_CLUSTERS:]).reshape(N_CLUSTERS * NP, HID)
    segp2 = seg_kernel(ys2, fused, col3, zeros128)
    (pooled2,) = _layer(segp2, ys2.reshape(N_CLUSTERS, NP, HID), dinv,
                        lab_pad, batch_pad, emit_x2=False)

    return _head(pooled1, pooled2, mlp_w1, mlp_b1, bn_gamma, bn_beta,
                 mlp_w2, mlp_b2)

# --- scband reference (transcript-rebuilt; emitter-appended) ---
"""Pipeline reference for scband-partition-enhanced-gcn-21449066676827 (READ-ONLY COPY).

The authoritative reference and input builder live on the scoring server;
editing this copy changes nothing except your own understanding.
"""

import jax, jax.numpy as jnp
import numpy as np

NUM_LAYERS = 2
NUM_CLUSTERS = 4
IN_CH = 128
HID = 128
OUT_CH = 64
N_NODES = 10000
N_EDGES = 320000
N_GRAPHS = 8


def setup_inputs(seed: int = 0) -> dict:
    key = jax.random.key(seed)
    ks = jax.random.split(key, 12)
    # column 0 of x holds cluster labels (as floats), columns 1: are node features
    labels = jax.random.randint(ks[0], (N_NODES, 1), 0, NUM_CLUSTERS).astype(jnp.float32)
    feats = jax.random.normal(ks[1], (N_NODES, IN_CH), dtype=jnp.float32)
    x = jnp.concatenate([labels, feats], axis=1)
    edge_index = jax.random.randint(ks[2], (2, N_EDGES), 0, N_NODES)
    batch = jnp.sort(jax.random.randint(ks[3], (N_NODES,), 0, N_GRAPHS))
    # one GCN linear weight per (layer, cluster); lin has no bias, conv bias=False
    conv_w = jax.random.normal(ks[4], (NUM_LAYERS * NUM_CLUSTERS, IN_CH, HID), dtype=jnp.float32) / jnp.sqrt(float(IN_CH))
    # pool MLP: [HID*NUM_LAYERS -> HID (batchnorm+relu) -> OUT_CH]
    mlp_w1 = jax.random.normal(ks[5], (HID * NUM_LAYERS, HID), dtype=jnp.float32) / jnp.sqrt(float(HID * NUM_LAYERS))
    mlp_b1 = jnp.zeros((HID,), dtype=jnp.float32)
    bn_gamma = jnp.ones((HID,), dtype=jnp.float32)
    bn_beta = jnp.zeros((HID,), dtype=jnp.float32)
    mlp_w2 = jax.random.normal(ks[6], (HID, OUT_CH), dtype=jnp.float32) / jnp.sqrt(float(HID))
    mlp_b2 = jnp.zeros((OUT_CH,), dtype=jnp.float32)
    return {"x": x, "edge_index": edge_index, "batch": batch, "conv_w": conv_w,
            "mlp_w1": mlp_w1, "mlp_b1": mlp_b1, "bn_gamma": bn_gamma, "bn_beta": bn_beta,
            "mlp_w2": mlp_w2, "mlp_b2": mlp_b2}


def _gcn_norm(edge_index, num_nodes):
    # add self loops (improved=False -> fill value 1.0), symmetric normalization
    loop = jnp.arange(num_nodes, dtype=edge_index.dtype)
    row = jnp.concatenate([edge_index[0], loop])
    col = jnp.concatenate([edge_index[1], loop])
    w = jnp.ones(row.shape[0], dtype=jnp.float32)
    deg = jnp.zeros((num_nodes,), dtype=jnp.float32).at[col].add(w)
    dinv = jnp.where(deg > 0, 1.0 / jnp.sqrt(deg), 0.0)
    norm = dinv[row] * w * dinv[col]
    return row, col, norm


def _conv(x, W, row, col, norm, num_nodes):
    h = x @ W
    msg = h[row] * norm[:, None]
    return jnp.zeros((num_nodes, h.shape[1]), dtype=h.dtype).at[col].add(msg)


def reference(x, edge_index, batch, conv_w, mlp_w1, mlp_b1, bn_gamma, bn_beta, mlp_w2, mlp_b2):
    N = x.shape[0]
    clustering_labels = x[:, 0]
    h = x[:, 1:]  # hidden_in_channel_diff == 0, no zero padding needed
    row, col, norm = _gcn_norm(edge_index, N)
    G = N_GRAPHS
    pooled = []
    for t in range(NUM_LAYERS):
        x2 = jnp.zeros((N, HID), dtype=jnp.float32)
        for c in range(NUM_CLUSTERS):
            W = conv_w[t * NUM_CLUSTERS + c]
            out = _conv(h, W, row, col, norm, N)
            out = jax.nn.relu(out)
            mask = clustering_labels == c
            x2 = jnp.where(mask[:, None], out, x2)
        h = x2
        pooled.append(jnp.zeros((G, HID), dtype=h.dtype).at[batch].add(h))  # global_add_pool
    z = jnp.concatenate(pooled, axis=1)
    # pool MLP: Linear -> BatchNorm (training mode) -> ReLU -> Linear
    z = z @ mlp_w1 + mlp_b1
    mean = jnp.mean(z, axis=0)
    var = jnp.var(z, axis=0)
    z = (z - mean) / jnp.sqrt(var + 1e-5) * bn_gamma + bn_beta
    z = jax.nn.relu(z)
    return z @ mlp_w2 + mlp_b2


if False:  # reference __main__ guard neutralized (emitter)
    out = reference(**setup_inputs())
    print(out.shape)

if __name__ == "__main__":
    import jax
    _d = setup_inputs()
    print(jax.jit(kernel)(*tuple(_d.values())))

</pallas_src>

<mosaic_0001>
#map = affine_map<(d0, d1) -> (0, 0, 0)>
#map1 = affine_map<(d0, d1) -> (0, 0)>
module attributes {stable_mosaic.version = 14 : i64} {
  func.func @_deg_body(%arg0: i32, %arg1: i32, %arg2: memref<32x79x128xi32, #tpu.memory_space<hbm>>, %arg3: memref<128x128xf32, #tpu.memory_space<hbm>>, %arg4: memref<10240x128xf32, #tpu.memory_space<hbm>>, %arg5: memref<2x10240x128xf32, #tpu.memory_space<hbm>>, %arg6: memref<79x128xi32, #tpu.memory_space<vmem>>, %arg7: memref<128x128xf32, #tpu.memory_space<vmem>>, %arg8: memref<10240x128xf32, #tpu.memory_space<vmem_shared>>) attributes {dimension_semantics = [#tpu.dimension_semantics<core_parallel>, #tpu.dimension_semantics<subcore_parallel>], iteration_bounds = array<i64: 2, 16>, scalar_prefetch = 0 : i64, scratch_operands = 3 : i64, tpu.core_type = #tpu.core_type<sc_vector_subcore>, window_params = [{transform_indices = #map}, {transform_indices = #map1}, {transform_indices = #map1}, {transform_indices = #map}]} {
    %mul3A = arith.constant 16 : i32
    %mul3A_0 = arith.muli %arg0, %mul3A : i32
    %add3A = arith.addi %mul3A_0, %arg1 : i32
    %mul3A_1 = arith.constant 640 : i32
    %mul3A_2 = arith.muli %arg1, %mul3A_1 : i32
    "tpu.region"() ({
      %run_scoped3A = tpu.sem_alloc : memref<!tpu.dma_semaphore, #tpu.memory_space<semaphore_mem>>
      %dma_start3A = arith.constant 0 : i32
      %dma_start3A_9 = tpu.memref_slice %arg8[%mul3A_2, %dma_start3A] : memref<10240x128xf32, #tpu.memory_space<vmem_shared>> -> memref<640x128xf32, #tpu.memory_space<vmem_shared>>
      %dma_start3A_10 = arith.constant 0 : i32
      %dma_start3A_11 = tpu.memref_slice %arg4[%mul3A_2, %dma_start3A_10] : memref<10240x128xf32, #tpu.memory_space<hbm>> -> memref<640x128xf32, #tpu.memory_space<hbm>>
      tpu.enqueue_dma source(%dma_start3A_11 : memref<640x128xf32, #tpu.memory_space<hbm>>) target(%dma_start3A_9 : memref<640x128xf32, #tpu.memory_space<vmem_shared>>) target_semaphore(%run_scoped3A : memref<!tpu.dma_semaphore, #tpu.memory_space<semaphore_mem>>)
      %dma_wait3A = arith.constant 0 : i32
      %dma_wait3A_12 = tpu.memref_slice %arg8[%mul3A_2, %dma_wait3A] : memref<10240x128xf32, #tpu.memory_space<vmem_shared>> -> memref<640x128xf32, #tpu.memory_space<vmem_shared>>
      %dma_wait3A_13 = arith.constant 0 : i32
      %dma_wait3A_14 = tpu.memref_slice %arg4[%mul3A_2, %dma_wait3A_13] : memref<10240x128xf32, #tpu.memory_space<hbm>> -> memref<640x128xf32, #tpu.memory_space<hbm>>
      tpu.wait_dma2 semaphore(%run_scoped3A : memref<!tpu.dma_semaphore, #tpu.memory_space<semaphore_mem>>) src(%dma_wait3A_14 : memref<640x128xf32, #tpu.memory_space<hbm>>) dst(%dma_wait3A_12 : memref<640x128xf32, #tpu.memory_space<vmem_shared>>)
      tpu.yield
    }) : () -> ()
    "tpu.region"() ({
      %run_scoped3A = tpu.sem_alloc : memref<!tpu.dma_semaphore, #tpu.memory_space<semaphore_mem>>
      %dma_start3A = arith.constant 0 : i32
      %dma_start3A_9 = arith.constant 0 : i32
      %dma_start3A_10 = tpu.memref_slice %arg2[%add3A, %dma_start3A, %dma_start3A_9] : memref<32x79x128xi32, #tpu.memory_space<hbm>> -> memref<1x79x128xi32, #tpu.memory_space<hbm>>
      %dma_start3A_11 = tpu.memref_squeeze %dma_start3A_10 : memref<1x79x128xi32, #tpu.memory_space<hbm>> -> memref<79x128xi32, #tpu.memory_space<hbm>>
      %dma_start3A_12 = arith.constant 0 : i32
      %dma_start3A_13 = arith.constant 0 : i32
      %dma_start3A_14 = tpu.memref_slice %arg2[%add3A, %dma_start3A_12, %dma_start3A_13] : memref<32x79x128xi32, #tpu.memory_space<hbm>> -> memref<1x79x128xi32, #tpu.memory_space<hbm>>
      %dma_start3A_15 = tpu.memref_squeeze %dma_start3A_14 : memref<1x79x128xi32, #tpu.memory_space<hbm>> -> memref<79x128xi32, #tpu.memory_space<hbm>>
      tpu.enqueue_dma source(%dma_start3A_15 : memref<79x128xi32, #tpu.memory_space<hbm>>) target(%arg6 : memref<79x128xi32, #tpu.memory_space<vmem>>) target_semaphore(%run_scoped3A : memref<!tpu.dma_semaphore, #tpu.memory_space<semaphore_mem>>)
      %dma_wait3A = arith.constant 0 : i32
      %dma_wait3A_16 = arith.constant 0 : i32
      %dma_wait3A_17 = tpu.memref_slice %arg2[%add3A, %dma_wait3A, %dma_wait3A_16] : memref<32x79x128xi32, #tpu.memory_space<hbm>> -> memref<1x79x128xi32, #tpu.memory_space<hbm>>
      %dma_wait3A_18 = tpu.memref_squeeze %dma_wait3A_17 : memref<1x79x128xi32, #tpu.memory_space<hbm>> -> memref<79x128xi32, #tpu.memory_space<hbm>>
      %dma_wait3A_19 = arith.constant 0 : i32
      %dma_wait3A_20 = arith.constant 0 : i32
      %dma_wait3A_21 = tpu.memref_slice %arg2[%add3A, %dma_wait3A_19, %dma_wait3A_20] : memref<32x79x128xi32, #tpu.memory_space<hbm>> -> memref<1x79x128xi32, #tpu.memory_space<hbm>>
      %dma_wait3A_22 = tpu.memref_squeeze %dma_wait3A_21 : memref<1x79x128xi32, #tpu.memory_space<hbm>> -> memref<79x128xi32, #tpu.memory_space<hbm>>
      tpu.wait_dma2 semaphore(%run_scoped3A : memref<!tpu.dma_semaphore, #tpu.memory_space<semaphore_mem>>) src(%dma_wait3A_22 : memref<79x128xi32, #tpu.memory_space<hbm>>) dst(%arg6 : memref<79x128xi32, #tpu.memory_space<vmem>>)
      tpu.yield
    }) : () -> ()
    "tpu.region"() ({
      %run_scoped3A = tpu.sem_alloc : memref<!tpu.dma_semaphore, #tpu.memory_space<semaphore_mem>>
      tpu.enqueue_dma source(%arg3 : memref<128x128xf32, #tpu.memory_space<hbm>>) target(%arg7 : memref<128x128xf32, #tpu.memory_space<vmem>>) target_semaphore(%run_scoped3A : memref<!tpu.dma_semaphore, #tpu.memory_space<semaphore_mem>>)
      tpu.wait_dma2 semaphore(%run_scoped3A : memref<!tpu.dma_semaphore, #tpu.memory_space<semaphore_mem>>) src(%arg3 : memref<128x128xf32, #tpu.memory_space<hbm>>) dst(%arg7 : memref<128x128xf32, #tpu.memory_space<vmem>>)
      tpu.yield
    }) : () -> ()
    %barrier3A = arith.constant 0 : index
    tpu.barrier barrier_id(%barrier3A)
    %scan3A = arith.constant 0 : i32
    %scan3A_3 = arith.constant 0 : i32
    %scan3A_4 = arith.constant 79 : i32
    %scan3A_5 = arith.addi %scan3A_3, %scan3A_4 : i32
    %scan3A_6 = arith.constant 1 : i32
    scf.for %scan3A_9 = %scan3A_3 to %scan3A_5 step %scan3A_6  : i32 {
      "tpu.region"() ({
        %run_scoped3A = tpu.sem_alloc : memref<!tpu.dma_semaphore, #tpu.memory_space<semaphore_mem>>
        %dma_start3A = arith.constant 0 : i32
        %dma_start3A_10 = tpu.memref_slice %arg6[%scan3A_9, %dma_start3A] : memref<79x128xi32, #tpu.memory_space<vmem>> -> memref<1x128xi32, #tpu.memory_space<vmem>>
        %dma_start3A_11 = tpu.memref_squeeze %dma_start3A_10 : memref<1x128xi32, #tpu.memory_space<vmem>> -> memref<128xi32, #tpu.memory_space<vmem>>
        %dma_start3A_12 = arith.constant 0 : i32
        %dma_start3A_13 = arith.constant 0 : i32
        %dma_start3A_14 = tpu.memref_slice %arg8[%dma_start3A_12, %dma_start3A_13] : memref<10240x128xf32, #tpu.memory_space<vmem_shared>> -> memref<10240x128xf32, #tpu.memory_space<vmem_shared>>
        tpu.enqueue_indirect_dma source(%arg7 : memref<128x128xf32, #tpu.memory_space<vmem>>) target(%dma_start3A_14 : memref<10240x128xf32, #tpu.memory_space<vmem_shared>>) offsets(%dma_start3A_11 : memref<128xi32, #tpu.memory_space<vmem>>) semaphore(%run_scoped3A : memref<!tpu.dma_semaphore, #tpu.memory_space<semaphore_mem>>) {add = true}
        %dma_wait3A = arith.constant 0 : i32
        %dma_wait3A_15 = tpu.memref_slice %arg6[%scan3A_9, %dma_wait3A] : memref<79x128xi32, #tpu.memory_space<vmem>> -> memref<1x128xi32, #tpu.memory_space<vmem>>
        %dma_wait3A_16 = tpu.memref_squeeze %dma_wait3A_15 : memref<1x128xi32, #tpu.memory_space<vmem>> -> memref<128xi32, #tpu.memory_space<vmem>>
        %dma_wait3A_17 = arith.constant 0 : i32
        %dma_wait3A_18 = arith.constant 0 : i32
        %dma_wait3A_19 = tpu.memref_slice %arg8[%dma_wait3A_17, %dma_wait3A_18] : memref<10240x128xf32, #tpu.memory_space<vmem_shared>> -> memref<10240x128xf32, #tpu.memory_space<vmem_shared>>
        tpu.wait_indirect_dma semaphore(%run_scoped3A : memref<!tpu.dma_semaphore, #tpu.memory_space<semaphore_mem>>) src(%arg7 : memref<128x128xf32, #tpu.memory_space<vmem>>) dst(%dma_wait3A_19 : memref<10240x128xf32, #tpu.memory_space<vmem_shared>>)
        tpu.yield
      }) : () -> ()
    }
    %scan3A_7 = arith.constant 79 : i32
    %barrier3A_8 = arith.constant 0 : index
    tpu.barrier barrier_id(%barrier3A_8)
    "tpu.region"() ({
      %run_scoped3A = tpu.sem_alloc : memref<!tpu.dma_semaphore, #tpu.memory_space<semaphore_mem>>
      %dma_start3A = arith.constant 0 : i32
      %dma_start3A_9 = tpu.memref_slice %arg5[%arg0, %mul3A_2, %dma_start3A] : memref<2x10240x128xf32, #tpu.memory_space<hbm>> -> memref<1x640x128xf32, #tpu.memory_space<hbm>>
      %dma_start3A_10 = tpu.memref_squeeze %dma_start3A_9 : memref<1x640x128xf32, #tpu.memory_space<hbm>> -> memref<640x128xf32, #tpu.memory_space<hbm>>
      %dma_start3A_11 = arith.constant 0 : i32
      %dma_start3A_12 = tpu.memref_slice %arg8[%mul3A_2, %dma_start3A_11] : memref<10240x128xf32, #tpu.memory_space<vmem_shared>> -> memref<640x128xf32, #tpu.memory_space<vmem_shared>>
      tpu.enqueue_dma source(%dma_start3A_12 : memref<640x128xf32, #tpu.memory_space<vmem_shared>>) target(%dma_start3A_10 : memref<640x128xf32, #tpu.memory_space<hbm>>) target_semaphore(%run_scoped3A : memref<!tpu.dma_semaphore, #tpu.memory_space<semaphore_mem>>)
      %dma_wait3A = arith.constant 0 : i32
      %dma_wait3A_13 = tpu.memref_slice %arg5[%arg0, %mul3A_2, %dma_wait3A] : memref<2x10240x128xf32, #tpu.memory_space<hbm>> -> memref<1x640x128xf32, #tpu.memory_space<hbm>>
      %dma_wait3A_14 = tpu.memref_squeeze %dma_wait3A_13 : memref<1x640x128xf32, #tpu.memory_space<hbm>> -> memref<640x128xf32, #tpu.memory_space<hbm>>
      %dma_wait3A_15 = arith.constant 0 : i32
      %dma_wait3A_16 = tpu.memref_slice %arg8[%mul3A_2, %dma_wait3A_15] : memref<10240x128xf32, #tpu.memory_space<vmem_shared>> -> memref<640x128xf32, #tpu.memory_space<vmem_shared>>
      tpu.wait_dma2 semaphore(%run_scoped3A : memref<!tpu.dma_semaphore, #tpu.memory_space<semaphore_mem>>) src(%dma_wait3A_16 : memref<640x128xf32, #tpu.memory_space<vmem_shared>>) dst(%dma_wait3A_14 : memref<640x128xf32, #tpu.memory_space<hbm>>)
      tpu.yield
    }) : () -> ()
    return
  }
}

#map = affine_map<(d0, d1) -> (0, 0)>
#map1 = affine_map<(d0, d1) -> (0, 0, 0)>
module attributes {stable_mosaic.version = 14 : i64} {
  func.func @_seg_body(%arg0: i32, %arg1: i32, %arg2: memref<40960x128xf32, #tpu.memory_space<hbm>>, %arg3: memref<32x79x128xi32, #tpu.memory_space<hbm>>, %arg4: memref<32x79x128xi32, #tpu.memory_space<hbm>>, %arg5: memref<10240x128xf32, #tpu.memory_space<hbm>>, %arg6: memref<2x10240x128xf32, #tpu.memory_space<hbm>>, %arg7: memref<79x128xi32, #tpu.memory_space<vmem>>, %arg8: memref<79x128xi32, #tpu.memory_space<vmem>>, %arg9: memref<128x128xf32, #tpu.memory_space<vmem>>, %arg10: memref<10240x128xf32, #tpu.memory_space<vmem_shared>>, %arg11: memref<!tpu.dma_semaphore, #tpu.memory_space<semaphore_mem>>) attributes {dimension_semantics = [#tpu.dimension_semantics<core_parallel>, #tpu.dimension_semantics<subcore_parallel>], iteration_bounds = array<i64: 2, 16>, scalar_prefetch = 0 : i64, scratch_operands = 5 : i64, tpu.core_type = #tpu.core_type<sc_vector_subcore>, window_params = [{transform_indices = #map}, {transform_indices = #map1}, {transform_indices = #map1}, {transform_indices = #map}, {transform_indices = #map1}]} {
    %mul3A = arith.constant 16 : i32
    %mul3A_0 = arith.muli %arg0, %mul3A : i32
    %add3A = arith.addi %mul3A_0, %arg1 : i32
    %mul3A_1 = arith.constant 640 : i32
    %mul3A_2 = arith.muli %arg1, %mul3A_1 : i32
    "tpu.region"() ({
      %run_scoped3A = tpu.sem_alloc : memref<!tpu.dma_semaphore, #tpu.memory_space<semaphore_mem>>
      %dma_start3A = arith.constant 0 : i32
      %dma_start3A_9 = tpu.memref_slice %arg10[%mul3A_2, %dma_start3A] : memref<10240x128xf32, #tpu.memory_space<vmem_shared>> -> memref<640x128xf32, #tpu.memory_space<vmem_shared>>
      %dma_start3A_10 = arith.constant 0 : i32
      %dma_start3A_11 = tpu.memref_slice %arg5[%mul3A_2, %dma_start3A_10] : memref<10240x128xf32, #tpu.memory_space<hbm>> -> memref<640x128xf32, #tpu.memory_space<hbm>>
      tpu.enqueue_dma source(%dma_start3A_11 : memref<640x128xf32, #tpu.memory_space<hbm>>) target(%dma_start3A_9 : memref<640x128xf32, #tpu.memory_space<vmem_shared>>) target_semaphore(%run_scoped3A : memref<!tpu.dma_semaphore, #tpu.memory_space<semaphore_mem>>)
      %dma_wait3A = arith.constant 0 : i32
      %dma_wait3A_12 = tpu.memref_slice %arg10[%mul3A_2, %dma_wait3A] : memref<10240x128xf32, #tpu.memory_space<vmem_shared>> -> memref<640x128xf32, #tpu.memory_space<vmem_shared>>
      %dma_wait3A_13 = arith.constant 0 : i32
      %dma_wait3A_14 = tpu.memref_slice %arg5[%mul3A_2, %dma_wait3A_13] : memref<10240x128xf32, #tpu.memory_space<hbm>> -> memref<640x128xf32, #tpu.memory_space<hbm>>
      tpu.wait_dma2 semaphore(%run_scoped3A : memref<!tpu.dma_semaphore, #tpu.memory_space<semaphore_mem>>) src(%dma_wait3A_14 : memref<640x128xf32, #tpu.memory_space<hbm>>) dst(%dma_wait3A_12 : memref<640x128xf32, #tpu.memory_space<vmem_shared>>)
      tpu.yield
    }) : () -> ()
    "tpu.region"() ({
      %run_scoped3A = tpu.sem_alloc : memref<!tpu.dma_semaphore, #tpu.memory_space<semaphore_mem>>
      %dma_start3A = arith.constant 0 : i32
      %dma_start3A_9 = arith.constant 0 : i32
      %dma_start3A_10 = tpu.memref_slice %arg3[%add3A, %dma_start3A, %dma_start3A_9] : memref<32x79x128xi32, #tpu.memory_space<hbm>> -> memref<1x79x128xi32, #tpu.memory_space<hbm>>
      %dma_start3A_11 = tpu.memref_squeeze %dma_start3A_10 : memref<1x79x128xi32, #tpu.memory_space<hbm>> -> memref<79x128xi32, #tpu.memory_space<hbm>>
      %dma_start3A_12 = arith.constant 0 : i32
      %dma_start3A_13 = arith.constant 0 : i32
      %dma_start3A_14 = tpu.memref_slice %arg3[%add3A, %dma_start3A_12, %dma_start3A_13] : memref<32x79x128xi32, #tpu.memory_space<hbm>> -> memref<1x79x128xi32, #tpu.memory_space<hbm>>
      %dma_start3A_15 = tpu.memref_squeeze %dma_start3A_14 : memref<1x79x128xi32, #tpu.memory_space<hbm>> -> memref<79x128xi32, #tpu.memory_space<hbm>>
      tpu.enqueue_dma source(%dma_start3A_15 : memref<79x128xi32, #tpu.memory_space<hbm>>) target(%arg7 : memref<79x128xi32, #tpu.memory_space<vmem>>) target_semaphore(%run_scoped3A : memref<!tpu.dma_semaphore, #tpu.memory_space<semaphore_mem>>)
      %dma_wait3A = arith.constant 0 : i32
      %dma_wait3A_16 = arith.constant 0 : i32
      %dma_wait3A_17 = tpu.memref_slice %arg3[%add3A, %dma_wait3A, %dma_wait3A_16] : memref<32x79x128xi32, #tpu.memory_space<hbm>> -> memref<1x79x128xi32, #tpu.memory_space<hbm>>
      %dma_wait3A_18 = tpu.memref_squeeze %dma_wait3A_17 : memref<1x79x128xi32, #tpu.memory_space<hbm>> -> memref<79x128xi32, #tpu.memory_space<hbm>>
      %dma_wait3A_19 = arith.constant 0 : i32
      %dma_wait3A_20 = arith.constant 0 : i32
      %dma_wait3A_21 = tpu.memref_slice %arg3[%add3A, %dma_wait3A_19, %dma_wait3A_20] : memref<32x79x128xi32, #tpu.memory_space<hbm>> -> memref<1x79x128xi32, #tpu.memory_space<hbm>>
      %dma_wait3A_22 = tpu.memref_squeeze %dma_wait3A_21 : memref<1x79x128xi32, #tpu.memory_space<hbm>> -> memref<79x128xi32, #tpu.memory_space<hbm>>
      tpu.wait_dma2 semaphore(%run_scoped3A : memref<!tpu.dma_semaphore, #tpu.memory_space<semaphore_mem>>) src(%dma_wait3A_22 : memref<79x128xi32, #tpu.memory_space<hbm>>) dst(%arg7 : memref<79x128xi32, #tpu.memory_space<vmem>>)
      tpu.yield
    }) : () -> ()
    "tpu.region"() ({
      %run_scoped3A = tpu.sem_alloc : memref<!tpu.dma_semaphore, #tpu.memory_space<semaphore_mem>>
      %dma_start3A = arith.constant 0 : i32
      %dma_start3A_9 = arith.constant 0 : i32
      %dma_start3A_10 = tpu.memref_slice %arg4[%add3A, %dma_start3A, %dma_start3A_9] : memref<32x79x128xi32, #tpu.memory_space<hbm>> -> memref<1x79x128xi32, #tpu.memory_space<hbm>>
      %dma_start3A_11 = tpu.memref_squeeze %dma_start3A_10 : memref<1x79x128xi32, #tpu.memory_space<hbm>> -> memref<79x128xi32, #tpu.memory_space<hbm>>
      %dma_start3A_12 = arith.constant 0 : i32
      %dma_start3A_13 = arith.constant 0 : i32
      %dma_start3A_14 = tpu.memref_slice %arg4[%add3A, %dma_start3A_12, %dma_start3A_13] : memref<32x79x128xi32, #tpu.memory_space<hbm>> -> memref<1x79x128xi32, #tpu.memory_space<hbm>>
      %dma_start3A_15 = tpu.memref_squeeze %dma_start3A_14 : memref<1x79x128xi32, #tpu.memory_space<hbm>> -> memref<79x128xi32, #tpu.memory_space<hbm>>
      tpu.enqueue_dma source(%dma_start3A_15 : memref<79x128xi32, #tpu.memory_space<hbm>>) target(%arg8 : memref<79x128xi32, #tpu.memory_space<vmem>>) target_semaphore(%run_scoped3A : memref<!tpu.dma_semaphore, #tpu.memory_space<semaphore_mem>>)
      %dma_wait3A = arith.constant 0 : i32
      %dma_wait3A_16 = arith.constant 0 : i32
      %dma_wait3A_17 = tpu.memref_slice %arg4[%add3A, %dma_wait3A, %dma_wait3A_16] : memref<32x79x128xi32, #tpu.memory_space<hbm>> -> memref<1x79x128xi32, #tpu.memory_space<hbm>>
      %dma_wait3A_18 = tpu.memref_squeeze %dma_wait3A_17 : memref<1x79x128xi32, #tpu.memory_space<hbm>> -> memref<79x128xi32, #tpu.memory_space<hbm>>
      %dma_wait3A_19 = arith.constant 0 : i32
      %dma_wait3A_20 = arith.constant 0 : i32
      %dma_wait3A_21 = tpu.memref_slice %arg4[%add3A, %dma_wait3A_19, %dma_wait3A_20] : memref<32x79x128xi32, #tpu.memory_space<hbm>> -> memref<1x79x128xi32, #tpu.memory_space<hbm>>
      %dma_wait3A_22 = tpu.memref_squeeze %dma_wait3A_21 : memref<1x79x128xi32, #tpu.memory_space<hbm>> -> memref<79x128xi32, #tpu.memory_space<hbm>>
      tpu.wait_dma2 semaphore(%run_scoped3A : memref<!tpu.dma_semaphore, #tpu.memory_space<semaphore_mem>>) src(%dma_wait3A_22 : memref<79x128xi32, #tpu.memory_space<hbm>>) dst(%arg8 : memref<79x128xi32, #tpu.memory_space<vmem>>)
      tpu.yield
    }) : () -> ()
    %barrier3A = arith.constant 0 : index
    tpu.barrier barrier_id(%barrier3A)
    %scan3A = arith.constant 0 : i32
    %scan3A_3 = arith.constant 0 : i32
    %scan3A_4 = arith.constant 79 : i32
    %scan3A_5 = arith.addi %scan3A_3, %scan3A_4 : i32
    %scan3A_6 = arith.constant 1 : i32
    scf.for %scan3A_9 = %scan3A_3 to %scan3A_5 step %scan3A_6  : i32 {
      %dma_start3A = arith.constant 0 : i32
      %dma_start3A_10 = tpu.memref_slice %arg7[%scan3A_9, %dma_start3A] : memref<79x128xi32, #tpu.memory_space<vmem>> -> memref<1x128xi32, #tpu.memory_space<vmem>>
      %dma_start3A_11 = tpu.memref_squeeze %dma_start3A_10 : memref<1x128xi32, #tpu.memory_space<vmem>> -> memref<128xi32, #tpu.memory_space<vmem>>
      %dma_start3A_12 = arith.constant 0 : i32
      %dma_start3A_13 = arith.constant 0 : i32
      %dma_start3A_14 = tpu.memref_slice %arg2[%dma_start3A_12, %dma_start3A_13] : memref<40960x128xf32, #tpu.memory_space<hbm>> -> memref<40960x128xf32, #tpu.memory_space<hbm>>
      tpu.enqueue_indirect_dma source(%dma_start3A_14 : memref<40960x128xf32, #tpu.memory_space<hbm>>) target(%arg9 : memref<128x128xf32, #tpu.memory_space<vmem>>) offsets(%dma_start3A_11 : memref<128xi32, #tpu.memory_space<vmem>>) semaphore(%arg11 : memref<!tpu.dma_semaphore, #tpu.memory_space<semaphore_mem>>)
      %dma_wait3A = arith.constant 0 : i32
      %dma_wait3A_15 = tpu.memref_slice %arg7[%scan3A_9, %dma_wait3A] : memref<79x128xi32, #tpu.memory_space<vmem>> -> memref<1x128xi32, #tpu.memory_space<vmem>>
      %dma_wait3A_16 = tpu.memref_squeeze %dma_wait3A_15 : memref<1x128xi32, #tpu.memory_space<vmem>> -> memref<128xi32, #tpu.memory_space<vmem>>
      %dma_wait3A_17 = arith.constant 0 : i32
      %dma_wait3A_18 = arith.constant 0 : i32
      %dma_wait3A_19 = tpu.memref_slice %arg2[%dma_wait3A_17, %dma_wait3A_18] : memref<40960x128xf32, #tpu.memory_space<hbm>> -> memref<40960x128xf32, #tpu.memory_space<hbm>>
      tpu.wait_indirect_dma semaphore(%arg11 : memref<!tpu.dma_semaphore, #tpu.memory_space<semaphore_mem>>) src(%dma_wait3A_19 : memref<40960x128xf32, #tpu.memory_space<hbm>>) dst(%arg9 : memref<128x128xf32, #tpu.memory_space<vmem>>)
      "tpu.region"() ({
        %run_scoped3A = tpu.sem_alloc : memref<!tpu.dma_semaphore, #tpu.memory_space<semaphore_mem>>
        %dma_start3A_20 = arith.constant 0 : i32
        %dma_start3A_21 = tpu.memref_slice %arg8[%scan3A_9, %dma_start3A_20] : memref<79x128xi32, #tpu.memory_space<vmem>> -> memref<1x128xi32, #tpu.memory_space<vmem>>
        %dma_start3A_22 = tpu.memref_squeeze %dma_start3A_21 : memref<1x128xi32, #tpu.memory_space<vmem>> -> memref<128xi32, #tpu.memory_space<vmem>>
        %dma_start3A_23 = arith.constant 0 : i32
        %dma_start3A_24 = arith.constant 0 : i32
        %dma_start3A_25 = tpu.memref_slice %arg10[%dma_start3A_23, %dma_start3A_24] : memref<10240x128xf32, #tpu.memory_space<vmem_shared>> -> memref<10240x128xf32, #tpu.memory_space<vmem_shared>>
        tpu.enqueue_indirect_dma source(%arg9 : memref<128x128xf32, #tpu.memory_space<vmem>>) target(%dma_start3A_25 : memref<10240x128xf32, #tpu.memory_space<vmem_shared>>) offsets(%dma_start3A_22 : memref<128xi32, #tpu.memory_space<vmem>>) semaphore(%run_scoped3A : memref<!tpu.dma_semaphore, #tpu.memory_space<semaphore_mem>>) {add = true}
        %dma_wait3A_26 = arith.constant 0 : i32
        %dma_wait3A_27 = tpu.memref_slice %arg8[%scan3A_9, %dma_wait3A_26] : memref<79x128xi32, #tpu.memory_space<vmem>> -> memref<1x128xi32, #tpu.memory_space<vmem>>
        %dma_wait3A_28 = tpu.memref_squeeze %dma_wait3A_27 : memref<1x128xi32, #tpu.memory_space<vmem>> -> memref<128xi32, #tpu.memory_space<vmem>>
        %dma_wait3A_29 = arith.constant 0 : i32
        %dma_wait3A_30 = arith.constant 0 : i32
        %dma_wait3A_31 = tpu.memref_slice %arg10[%dma_wait3A_29, %dma_wait3A_30] : memref<10240x128xf32, #tpu.memory_space<vmem_shared>> -> memref<10240x128xf32, #tpu.memory_space<vmem_shared>>
        tpu.wait_indirect_dma semaphore(%run_scoped3A : memref<!tpu.dma_semaphore, #tpu.memory_space<semaphore_mem>>) src(%arg9 : memref<128x128xf32, #tpu.memory_space<vmem>>) dst(%dma_wait3A_31 : memref<10240x128xf32, #tpu.memory_space<vmem_shared>>)
        tpu.yield
      }) : () -> ()
    }
    %scan3A_7 = arith.constant 79 : i32
    %barrier3A_8 = arith.constant 0 : index
    tpu.barrier barrier_id(%barrier3A_8)
    "tpu.region"() ({
      %run_scoped3A = tpu.sem_alloc : memref<!tpu.dma_semaphore, #tpu.memory_space<semaphore_mem>>
      %dma_start3A = arith.constant 0 : i32
      %dma_start3A_9 = tpu.memref_slice %arg6[%arg0, %mul3A_2, %dma_start3A] : memref<2x10240x128xf32, #tpu.memory_space<hbm>> -> memref<1x640x128xf32, #tpu.memory_space<hbm>>
      %dma_start3A_10 = tpu.memref_squeeze %dma_start3A_9 : memref<1x640x128xf32, #tpu.memory_space<hbm>> -> memref<640x128xf32, #tpu.memory_space<hbm>>
      %dma_start3A_11 = arith.constant 0 : i32
      %dma_start3A_12 = tpu.memref_slice %arg10[%mul3A_2, %dma_start3A_11] : memref<10240x128xf32, #tpu.memory_space<vmem_shared>> -> memref<640x128xf32, #tpu.memory_space<vmem_shared>>
      tpu.enqueue_dma source(%dma_start3A_12 : memref<640x128xf32, #tpu.memory_space<vmem_shared>>) target(%dma_start3A_10 : memref<640x128xf32, #tpu.memory_space<hbm>>) target_semaphore(%run_scoped3A : memref<!tpu.dma_semaphore, #tpu.memory_space<semaphore_mem>>)
      %dma_wait3A = arith.constant 0 : i32
      %dma_wait3A_13 = tpu.memref_slice %arg6[%arg0, %mul3A_2, %dma_wait3A] : memref<2x10240x128xf32, #tpu.memory_space<hbm>> -> memref<1x640x128xf32, #tpu.memory_space<hbm>>
      %dma_wait3A_14 = tpu.memref_squeeze %dma_wait3A_13 : memref<1x640x128xf32, #tpu.memory_space<hbm>> -> memref<640x128xf32, #tpu.memory_space<hbm>>
      %dma_wait3A_15 = arith.constant 0 : i32
      %dma_wait3A_16 = tpu.memref_slice %arg10[%mul3A_2, %dma_wait3A_15] : memref<10240x128xf32, #tpu.memory_space<vmem_shared>> -> memref<640x128xf32, #tpu.memory_space<vmem_shared>>
      tpu.wait_dma2 semaphore(%run_scoped3A : memref<!tpu.dma_semaphore, #tpu.memory_space<semaphore_mem>>) src(%dma_wait3A_16 : memref<640x128xf32, #tpu.memory_space<vmem_shared>>) dst(%dma_wait3A_14 : memref<640x128xf32, #tpu.memory_space<hbm>>)
      tpu.yield
    }) : () -> ()
    return
  }
}

#map = affine_map<(d0, d1) -> (0, 0)>
#map1 = affine_map<(d0, d1) -> (0, 0, 0)>
module attributes {stable_mosaic.version = 14 : i64} {
  func.func @_seg_body(%arg0: i32, %arg1: i32, %arg2: memref<40960x128xf32, #tpu.memory_space<hbm>>, %arg3: memref<32x79x128xi32, #tpu.memory_space<hbm>>, %arg4: memref<32x79x128xi32, #tpu.memory_space<hbm>>, %arg5: memref<10240x128xf32, #tpu.memory_space<hbm>>, %arg6: memref<2x10240x128xf32, #tpu.memory_space<hbm>>, %arg7: memref<79x128xi32, #tpu.memory_space<vmem>>, %arg8: memref<79x128xi32, #tpu.memory_space<vmem>>, %arg9: memref<128x128xf32, #tpu.memory_space<vmem>>, %arg10: memref<10240x128xf32, #tpu.memory_space<vmem_shared>>, %arg11: memref<!tpu.dma_semaphore, #tpu.memory_space<semaphore_mem>>) attributes {dimension_semantics = [#tpu.dimension_semantics<core_parallel>, #tpu.dimension_semantics<subcore_parallel>], iteration_bounds = array<i64: 2, 16>, scalar_prefetch = 0 : i64, scratch_operands = 5 : i64, tpu.core_type = #tpu.core_type<sc_vector_subcore>, window_params = [{transform_indices = #map}, {transform_indices = #map1}, {transform_indices = #map1}, {transform_indices = #map}, {transform_indices = #map1}]} {
    %mul3A = arith.constant 16 : i32
    %mul3A_0 = arith.muli %arg0, %mul3A : i32
    %add3A = arith.addi %mul3A_0, %arg1 : i32
    %mul3A_1 = arith.constant 640 : i32
    %mul3A_2 = arith.muli %arg1, %mul3A_1 : i32
    "tpu.region"() ({
      %run_scoped3A = tpu.sem_alloc : memref<!tpu.dma_semaphore, #tpu.memory_space<semaphore_mem>>
      %dma_start3A = arith.constant 0 : i32
      %dma_start3A_9 = tpu.memref_slice %arg10[%mul3A_2, %dma_start3A] : memref<10240x128xf32, #tpu.memory_space<vmem_shared>> -> memref<640x128xf32, #tpu.memory_space<vmem_shared>>
      %dma_start3A_10 = arith.constant 0 : i32
      %dma_start3A_11 = tpu.memref_slice %arg5[%mul3A_2, %dma_start3A_10] : memref<10240x128xf32, #tpu.memory_space<hbm>> -> memref<640x128xf32, #tpu.memory_space<hbm>>
      tpu.enqueue_dma source(%dma_start3A_11 : memref<640x128xf32, #tpu.memory_space<hbm>>) target(%dma_start3A_9 : memref<640x128xf32, #tpu.memory_space<vmem_shared>>) target_semaphore(%run_scoped3A : memref<!tpu.dma_semaphore, #tpu.memory_space<semaphore_mem>>)
      %dma_wait3A = arith.constant 0 : i32
      %dma_wait3A_12 = tpu.memref_slice %arg10[%mul3A_2, %dma_wait3A] : memref<10240x128xf32, #tpu.memory_space<vmem_shared>> -> memref<640x128xf32, #tpu.memory_space<vmem_shared>>
      %dma_wait3A_13 = arith.constant 0 : i32
      %dma_wait3A_14 = tpu.memref_slice %arg5[%mul3A_2, %dma_wait3A_13] : memref<10240x128xf32, #tpu.memory_space<hbm>> -> memref<640x128xf32, #tpu.memory_space<hbm>>
      tpu.wait_dma2 semaphore(%run_scoped3A : memref<!tpu.dma_semaphore, #tpu.memory_space<semaphore_mem>>) src(%dma_wait3A_14 : memref<640x128xf32, #tpu.memory_space<hbm>>) dst(%dma_wait3A_12 : memref<640x128xf32, #tpu.memory_space<vmem_shared>>)
      tpu.yield
    }) : () -> ()
    "tpu.region"() ({
      %run_scoped3A = tpu.sem_alloc : memref<!tpu.dma_semaphore, #tpu.memory_space<semaphore_mem>>
      %dma_start3A = arith.constant 0 : i32
      %dma_start3A_9 = arith.constant 0 : i32
      %dma_start3A_10 = tpu.memref_slice %arg3[%add3A, %dma_start3A, %dma_start3A_9] : memref<32x79x128xi32, #tpu.memory_space<hbm>> -> memref<1x79x128xi32, #tpu.memory_space<hbm>>
      %dma_start3A_11 = tpu.memref_squeeze %dma_start3A_10 : memref<1x79x128xi32, #tpu.memory_space<hbm>> -> memref<79x128xi32, #tpu.memory_space<hbm>>
      %dma_start3A_12 = arith.constant 0 : i32
      %dma_start3A_13 = arith.constant 0 : i32
      %dma_start3A_14 = tpu.memref_slice %arg3[%add3A, %dma_start3A_12, %dma_start3A_13] : memref<32x79x128xi32, #tpu.memory_space<hbm>> -> memref<1x79x128xi32, #tpu.memory_space<hbm>>
      %dma_start3A_15 = tpu.memref_squeeze %dma_start3A_14 : memref<1x79x128xi32, #tpu.memory_space<hbm>> -> memref<79x128xi32, #tpu.memory_space<hbm>>
      tpu.enqueue_dma source(%dma_start3A_15 : memref<79x128xi32, #tpu.memory_space<hbm>>) target(%arg7 : memref<79x128xi32, #tpu.memory_space<vmem>>) target_semaphore(%run_scoped3A : memref<!tpu.dma_semaphore, #tpu.memory_space<semaphore_mem>>)
      %dma_wait3A = arith.constant 0 : i32
      %dma_wait3A_16 = arith.constant 0 : i32
      %dma_wait3A_17 = tpu.memref_slice %arg3[%add3A, %dma_wait3A, %dma_wait3A_16] : memref<32x79x128xi32, #tpu.memory_space<hbm>> -> memref<1x79x128xi32, #tpu.memory_space<hbm>>
      %dma_wait3A_18 = tpu.memref_squeeze %dma_wait3A_17 : memref<1x79x128xi32, #tpu.memory_space<hbm>> -> memref<79x128xi32, #tpu.memory_space<hbm>>
      %dma_wait3A_19 = arith.constant 0 : i32
      %dma_wait3A_20 = arith.constant 0 : i32
      %dma_wait3A_21 = tpu.memref_slice %arg3[%add3A, %dma_wait3A_19, %dma_wait3A_20] : memref<32x79x128xi32, #tpu.memory_space<hbm>> -> memref<1x79x128xi32, #tpu.memory_space<hbm>>
      %dma_wait3A_22 = tpu.memref_squeeze %dma_wait3A_21 : memref<1x79x128xi32, #tpu.memory_space<hbm>> -> memref<79x128xi32, #tpu.memory_space<hbm>>
      tpu.wait_dma2 semaphore(%run_scoped3A : memref<!tpu.dma_semaphore, #tpu.memory_space<semaphore_mem>>) src(%dma_wait3A_22 : memref<79x128xi32, #tpu.memory_space<hbm>>) dst(%arg7 : memref<79x128xi32, #tpu.memory_space<vmem>>)
      tpu.yield
    }) : () -> ()
    "tpu.region"() ({
      %run_scoped3A = tpu.sem_alloc : memref<!tpu.dma_semaphore, #tpu.memory_space<semaphore_mem>>
      %dma_start3A = arith.constant 0 : i32
      %dma_start3A_9 = arith.constant 0 : i32
      %dma_start3A_10 = tpu.memref_slice %arg4[%add3A, %dma_start3A, %dma_start3A_9] : memref<32x79x128xi32, #tpu.memory_space<hbm>> -> memref<1x79x128xi32, #tpu.memory_space<hbm>>
      %dma_start3A_11 = tpu.memref_squeeze %dma_start3A_10 : memref<1x79x128xi32, #tpu.memory_space<hbm>> -> memref<79x128xi32, #tpu.memory_space<hbm>>
      %dma_start3A_12 = arith.constant 0 : i32
      %dma_start3A_13 = arith.constant 0 : i32
      %dma_start3A_14 = tpu.memref_slice %arg4[%add3A, %dma_start3A_12, %dma_start3A_13] : memref<32x79x128xi32, #tpu.memory_space<hbm>> -> memref<1x79x128xi32, #tpu.memory_space<hbm>>
      %dma_start3A_15 = tpu.memref_squeeze %dma_start3A_14 : memref<1x79x128xi32, #tpu.memory_space<hbm>> -> memref<79x128xi32, #tpu.memory_space<hbm>>
      tpu.enqueue_dma source(%dma_start3A_15 : memref<79x128xi32, #tpu.memory_space<hbm>>) target(%arg8 : memref<79x128xi32, #tpu.memory_space<vmem>>) target_semaphore(%run_scoped3A : memref<!tpu.dma_semaphore, #tpu.memory_space<semaphore_mem>>)
      %dma_wait3A = arith.constant 0 : i32
      %dma_wait3A_16 = arith.constant 0 : i32
      %dma_wait3A_17 = tpu.memref_slice %arg4[%add3A, %dma_wait3A, %dma_wait3A_16] : memref<32x79x128xi32, #tpu.memory_space<hbm>> -> memref<1x79x128xi32, #tpu.memory_space<hbm>>
      %dma_wait3A_18 = tpu.memref_squeeze %dma_wait3A_17 : memref<1x79x128xi32, #tpu.memory_space<hbm>> -> memref<79x128xi32, #tpu.memory_space<hbm>>
      %dma_wait3A_19 = arith.constant 0 : i32
      %dma_wait3A_20 = arith.constant 0 : i32
      %dma_wait3A_21 = tpu.memref_slice %arg4[%add3A, %dma_wait3A_19, %dma_wait3A_20] : memref<32x79x128xi32, #tpu.memory_space<hbm>> -> memref<1x79x128xi32, #tpu.memory_space<hbm>>
      %dma_wait3A_22 = tpu.memref_squeeze %dma_wait3A_21 : memref<1x79x128xi32, #tpu.memory_space<hbm>> -> memref<79x128xi32, #tpu.memory_space<hbm>>
      tpu.wait_dma2 semaphore(%run_scoped3A : memref<!tpu.dma_semaphore, #tpu.memory_space<semaphore_mem>>) src(%dma_wait3A_22 : memref<79x128xi32, #tpu.memory_space<hbm>>) dst(%arg8 : memref<79x128xi32, #tpu.memory_space<vmem>>)
      tpu.yield
    }) : () -> ()
    %barrier3A = arith.constant 0 : index
    tpu.barrier barrier_id(%barrier3A)
    %scan3A = arith.constant 0 : i32
    %scan3A_3 = arith.constant 0 : i32
    %scan3A_4 = arith.constant 79 : i32
    %scan3A_5 = arith.addi %scan3A_3, %scan3A_4 : i32
    %scan3A_6 = arith.constant 1 : i32
    scf.for %scan3A_9 = %scan3A_3 to %scan3A_5 step %scan3A_6  : i32 {
      %dma_start3A = arith.constant 0 : i32
      %dma_start3A_10 = tpu.memref_slice %arg7[%scan3A_9, %dma_start3A] : memref<79x128xi32, #tpu.memory_space<vmem>> -> memref<1x128xi32, #tpu.memory_space<vmem>>
      %dma_start3A_11 = tpu.memref_squeeze %dma_start3A_10 : memref<1x128xi32, #tpu.memory_space<vmem>> -> memref<128xi32, #tpu.memory_space<vmem>>
      %dma_start3A_12 = arith.constant 0 : i32
      %dma_start3A_13 = arith.constant 0 : i32
      %dma_start3A_14 = tpu.memref_slice %arg2[%dma_start3A_12, %dma_start3A_13] : memref<40960x128xf32, #tpu.memory_space<hbm>> -> memref<40960x128xf32, #tpu.memory_space<hbm>>
      tpu.enqueue_indirect_dma source(%dma_start3A_14 : memref<40960x128xf32, #tpu.memory_space<hbm>>) target(%arg9 : memref<128x128xf32, #tpu.memory_space<vmem>>) offsets(%dma_start3A_11 : memref<128xi32, #tpu.memory_space<vmem>>) semaphore(%arg11 : memref<!tpu.dma_semaphore, #tpu.memory_space<semaphore_mem>>)
      %dma_wait3A = arith.constant 0 : i32
      %dma_wait3A_15 = tpu.memref_slice %arg7[%scan3A_9, %dma_wait3A] : memref<79x128xi32, #tpu.memory_space<vmem>> -> memref<1x128xi32, #tpu.memory_space<vmem>>
      %dma_wait3A_16 = tpu.memref_squeeze %dma_wait3A_15 : memref<1x128xi32, #tpu.memory_space<vmem>> -> memref<128xi32, #tpu.memory_space<vmem>>
      %dma_wait3A_17 = arith.constant 0 : i32
      %dma_wait3A_18 = arith.constant 0 : i32
      %dma_wait3A_19 = tpu.memref_slice %arg2[%dma_wait3A_17, %dma_wait3A_18] : memref<40960x128xf32, #tpu.memory_space<hbm>> -> memref<40960x128xf32, #tpu.memory_space<hbm>>
      tpu.wait_indirect_dma semaphore(%arg11 : memref<!tpu.dma_semaphore, #tpu.memory_space<semaphore_mem>>) src(%dma_wait3A_19 : memref<40960x128xf32, #tpu.memory_space<hbm>>) dst(%arg9 : memref<128x128xf32, #tpu.memory_space<vmem>>)
      "tpu.region"() ({
        %run_scoped3A = tpu.sem_alloc : memref<!tpu.dma_semaphore, #tpu.memory_space<semaphore_mem>>
        %dma_start3A_20 = arith.constant 0 : i32
        %dma_start3A_21 = tpu.memref_slice %arg8[%scan3A_9, %dma_start3A_20] : memref<79x128xi32, #tpu.memory_space<vmem>> -> memref<1x128xi32, #tpu.memory_space<vmem>>
        %dma_start3A_22 = tpu.memref_squeeze %dma_start3A_21 : memref<1x128xi32, #tpu.memory_space<vmem>> -> memref<128xi32, #tpu.memory_space<vmem>>
        %dma_start3A_23 = arith.constant 0 : i32
        %dma_start3A_24 = arith.constant 0 : i32
        %dma_start3A_25 = tpu.memref_slice %arg10[%dma_start3A_23, %dma_start3A_24] : memref<10240x128xf32, #tpu.memory_space<vmem_shared>> -> memref<10240x128xf32, #tpu.memory_space<vmem_shared>>
        tpu.enqueue_indirect_dma source(%arg9 : memref<128x128xf32, #tpu.memory_space<vmem>>) target(%dma_start3A_25 : memref<10240x128xf32, #tpu.memory_space<vmem_shared>>) offsets(%dma_start3A_22 : memref<128xi32, #tpu.memory_space<vmem>>) semaphore(%run_scoped3A : memref<!tpu.dma_semaphore, #tpu.memory_space<semaphore_mem>>) {add = true}
        %dma_wait3A_26 = arith.constant 0 : i32
        %dma_wait3A_27 = tpu.memref_slice %arg8[%scan3A_9, %dma_wait3A_26] : memref<79x128xi32, #tpu.memory_space<vmem>> -> memref<1x128xi32, #tpu.memory_space<vmem>>
        %dma_wait3A_28 = tpu.memref_squeeze %dma_wait3A_27 : memref<1x128xi32, #tpu.memory_space<vmem>> -> memref<128xi32, #tpu.memory_space<vmem>>
        %dma_wait3A_29 = arith.constant 0 : i32
        %dma_wait3A_30 = arith.constant 0 : i32
        %dma_wait3A_31 = tpu.memref_slice %arg10[%dma_wait3A_29, %dma_wait3A_30] : memref<10240x128xf32, #tpu.memory_space<vmem_shared>> -> memref<10240x128xf32, #tpu.memory_space<vmem_shared>>
        tpu.wait_indirect_dma semaphore(%run_scoped3A : memref<!tpu.dma_semaphore, #tpu.memory_space<semaphore_mem>>) src(%arg9 : memref<128x128xf32, #tpu.memory_space<vmem>>) dst(%dma_wait3A_31 : memref<10240x128xf32, #tpu.memory_space<vmem_shared>>)
        tpu.yield
      }) : () -> ()
    }
    %scan3A_7 = arith.constant 79 : i32
    %barrier3A_8 = arith.constant 0 : index
    tpu.barrier barrier_id(%barrier3A_8)
    "tpu.region"() ({
      %run_scoped3A = tpu.sem_alloc : memref<!tpu.dma_semaphore, #tpu.memory_space<semaphore_mem>>
      %dma_start3A = arith.constant 0 : i32
      %dma_start3A_9 = tpu.memref_slice %arg6[%arg0, %mul3A_2, %dma_start3A] : memref<2x10240x128xf32, #tpu.memory_space<hbm>> -> memref<1x640x128xf32, #tpu.memory_space<hbm>>
      %dma_start3A_10 = tpu.memref_squeeze %dma_start3A_9 : memref<1x640x128xf32, #tpu.memory_space<hbm>> -> memref<640x128xf32, #tpu.memory_space<hbm>>
      %dma_start3A_11 = arith.constant 0 : i32
      %dma_start3A_12 = tpu.memref_slice %arg10[%mul3A_2, %dma_start3A_11] : memref<10240x128xf32, #tpu.memory_space<vmem_shared>> -> memref<640x128xf32, #tpu.memory_space<vmem_shared>>
      tpu.enqueue_dma source(%dma_start3A_12 : memref<640x128xf32, #tpu.memory_space<vmem_shared>>) target(%dma_start3A_10 : memref<640x128xf32, #tpu.memory_space<hbm>>) target_semaphore(%run_scoped3A : memref<!tpu.dma_semaphore, #tpu.memory_space<semaphore_mem>>)
      %dma_wait3A = arith.constant 0 : i32
      %dma_wait3A_13 = tpu.memref_slice %arg6[%arg0, %mul3A_2, %dma_wait3A] : memref<2x10240x128xf32, #tpu.memory_space<hbm>> -> memref<1x640x128xf32, #tpu.memory_space<hbm>>
      %dma_wait3A_14 = tpu.memref_squeeze %dma_wait3A_13 : memref<1x640x128xf32, #tpu.memory_space<hbm>> -> memref<640x128xf32, #tpu.memory_space<hbm>>
      %dma_wait3A_15 = arith.constant 0 : i32
      %dma_wait3A_16 = tpu.memref_slice %arg10[%mul3A_2, %dma_wait3A_15] : memref<10240x128xf32, #tpu.memory_space<vmem_shared>> -> memref<640x128xf32, #tpu.memory_space<vmem_shared>>
      tpu.wait_dma2 semaphore(%run_scoped3A : memref<!tpu.dma_semaphore, #tpu.memory_space<semaphore_mem>>) src(%dma_wait3A_16 : memref<640x128xf32, #tpu.memory_space<vmem_shared>>) dst(%dma_wait3A_14 : memref<640x128xf32, #tpu.memory_space<hbm>>)
      tpu.yield
    }) : () -> ()
    return
  }
}

module attributes {stable_mosaic.version = 14 : i64} {
  func.func @_dinv_body(%arg0: i32, %arg1: memref<2x1024x128xf32, #tpu.memory_space<vmem>>, %arg2: memref<1024x1xf32, #tpu.memory_space<vmem>>) attributes {dimension_semantics = [#tpu.dimension_semantics<arbitrary>], iteration_bounds = array<i64: 10>, scalar_prefetch = 0 : i64, scratch_operands = 0 : i64, tpu.core_type = #tpu.core_type<tc>, window_params = [{transform_indices = @transform_0, window_bounds = array<i64: 2, 1024, 128>}, {transform_indices = @transform_1, window_bounds = array<i64: 1024, 1>}]} {
    %get3A = arith.constant 0 : index
    %get3A_0 = arith.constant 0 : index
    %get3A_1 = arith.constant 0 : index
    %get3A_2 = vector.load %arg1[%get3A, %get3A_0, %get3A_1] : memref<2x1024x128xf32, #tpu.memory_space<vmem>>, vector<1x1024x1xf32>
    %get3A_3 = vector.shape_cast %get3A_2 : vector<1x1024x1xf32> to vector<1024xf32>
    %get3A_4 = arith.constant 1 : index
    %get3A_5 = arith.constant 0 : index
    %get3A_6 = arith.constant 0 : index
    %get3A_7 = vector.load %arg1[%get3A_4, %get3A_5, %get3A_6] : memref<2x1024x128xf32, #tpu.memory_space<vmem>>, vector<1x1024x1xf32>
    %get3A_8 = vector.shape_cast %get3A_7 : vector<1x1024x1xf32> to vector<1024xf32>
    %add3A = arith.addf %get3A_3, %get3A_8 : vector<1024xf32>
    %add3A_9 = arith.constant 1.000000e+00 : f32
    %add3A_10 = vector.broadcast %add3A_9 : f32 to vector<1024xf32>
    %add3A_11 = arith.addf %add3A, %add3A_10 : vector<1024xf32>
    %rsqrt3A = math.rsqrt %add3A_11 : vector<1024xf32>
    %broadcast_in_dim3A = vector.shape_cast %rsqrt3A : vector<1024xf32> to vector<1024x1xf32>
    %swap3A = arith.constant 0 : index
    %swap3A_12 = arith.constant 0 : index
    %swap3A_13 = vector.load %arg2[%swap3A, %swap3A_12] : memref<1024x1xf32, #tpu.memory_space<vmem>>, vector<1024x1xf32>
    tpu.vector_store %arg2[%swap3A, %swap3A_12], %broadcast_in_dim3A {strides = array<i32>} : memref<1024x1xf32, #tpu.memory_space<vmem>>, vector<1024x1xf32>,
    return
  }
  func.func @transform_0(%arg0: i32) -> (i32, i32, i32) {
    %c0_i32 = arith.constant 0 : i32
    %c0_i32_0 = arith.constant 0 : i32
    %c0_i32_1 = arith.constant 0 : i32
    return %c0_i32, %arg0, %c0_i32_0 : i32, i32, i32
  }
  func.func @transform_1(%arg0: i32) -> (i32, i32) {
    %c0_i32 = arith.constant 0 : i32
    %c0_i32_0 = arith.constant 0 : i32
    return %arg0, %c0_i32 : i32, i32
  }
}

module attributes {stable_mosaic.version = 14 : i64} {
  func.func @_ys_body(%arg0: i32, %arg1: memref<1024x128xf32, #tpu.memory_space<vmem>>, %arg2: memref<1024x1xf32, #tpu.memory_space<vmem>>, %arg3: memref<4x128x128xf32, #tpu.memory_space<vmem>>, %arg4: memref<4x1024x128xf32, #tpu.memory_space<vmem>>) attributes {dimension_semantics = [#tpu.dimension_semantics<arbitrary>], iteration_bounds = array<i64: 10>, scalar_prefetch = 0 : i64, scratch_operands = 0 : i64, tpu.core_type = #tpu.core_type<tc>, window_params = [{transform_indices = @transform_0, window_bounds = array<i64: 1024, 128>}, {transform_indices = @transform_1, window_bounds = array<i64: 1024, 1>}, {pipeline_mode = #tpu.pipeline_mode<synchronous>, transform_indices = @transform_2, window_bounds = array<i64: 4, 128, 128>}, {transform_indices = @transform_3, window_bounds = array<i64: 4, 1024, 128>}]} {
    %get3A = arith.constant 0 : index
    %get3A_0 = arith.constant 0 : index
    %get3A_1 = vector.load %arg1[%get3A, %get3A_0] : memref<1024x128xf32, #tpu.memory_space<vmem>>, vector<1024x128xf32>
    %get3A_2 = arith.constant 0 : index
    %get3A_3 = arith.constant 0 : index
    %get3A_4 = vector.load %arg2[%get3A_2, %get3A_3] : memref<1024x1xf32, #tpu.memory_space<vmem>>, vector<1024x1xf32>
    %get3A_5 = arith.constant 0 : index
    %get3A_6 = arith.constant 0 : index
    %get3A_7 = arith.constant 0 : index
    %get3A_8 = vector.load %arg3[%get3A_5, %get3A_6, %get3A_7] : memref<4x128x128xf32, #tpu.memory_space<vmem>>, vector<1x128x128xf32>
    %get3A_9 = vector.shape_cast %get3A_8 : vector<1x128x128xf32> to vector<128x128xf32>
    %dot_general3A = arith.constant dense<0.000000e+00> : vector<1024x128xf32>
    %dot_general3A_10 = tpu.matmul %get3A_1, %get3A_9, %dot_general3A {dimension_numbers = #tpu.dot_dimension_numbers<[1], [0], [0], [1], [0, 0, 1, 1], [], []>, transpose_lhs_hint = false} : vector<1024x128xf32>, vector<128x128xf32>, vector<1024x128xf32> -> vector<1024x128xf32>
    %mul3A = vector.broadcast %get3A_4 : vector<1024x1xf32> to vector<1024x128xf32>
    %mul3A_11 = arith.mulf %mul3A, %dot_general3A_10 : vector<1024x128xf32>
    %swap3A = arith.constant 0 : index
    %swap3A_12 = arith.constant 0 : index
    %swap3A_13 = arith.constant 0 : index
    %swap3A_14 = vector.load %arg4[%swap3A, %swap3A_12, %swap3A_13] : memref<4x1024x128xf32, #tpu.memory_space<vmem>>, vector<1x1024x128xf32>
    %swap3A_15 = vector.shape_cast %swap3A_14 : vector<1x1024x128xf32> to vector<1024x128xf32>
    %swap3A_16 = vector.shape_cast %mul3A_11 : vector<1024x128xf32> to vector<1x1024x128xf32>
    tpu.vector_store %arg4[%swap3A, %swap3A_12, %swap3A_13], %swap3A_16 {strides = array<i32>} : memref<4x1024x128xf32, #tpu.memory_space<vmem>>, vector<1x1024x128xf32>,
    %get3A_17 = arith.constant 1 : index
    %get3A_18 = arith.constant 0 : index
    %get3A_19 = arith.constant 0 : index
    %get3A_20 = vector.load %arg3[%get3A_17, %get3A_18, %get3A_19] : memref<4x128x128xf32, #tpu.memory_space<vmem>>, vector<1x128x128xf32>
    %get3A_21 = vector.shape_cast %get3A_20 : vector<1x128x128xf32> to vector<128x128xf32>
    %dot_general3A_22 = arith.constant dense<0.000000e+00> : vector<1024x128xf32>
    %dot_general3A_23 = tpu.matmul %get3A_1, %get3A_21, %dot_general3A_22 {dimension_numbers = #tpu.dot_dimension_numbers<[1], [0], [0], [1], [0, 0, 1, 1], [], []>, transpose_lhs_hint = false} : vector<1024x128xf32>, vector<128x128xf32>, vector<1024x128xf32> -> vector<1024x128xf32>
    %mul3A_24 = vector.broadcast %get3A_4 : vector<1024x1xf32> to vector<1024x128xf32>
    %mul3A_25 = arith.mulf %mul3A_24, %dot_general3A_23 : vector<1024x128xf32>
    %swap3A_26 = arith.constant 1 : index
    %swap3A_27 = arith.constant 0 : index
    %swap3A_28 = arith.constant 0 : index
    %swap3A_29 = vector.load %arg4[%swap3A_26, %swap3A_27, %swap3A_28] : memref<4x1024x128xf32, #tpu.memory_space<vmem>>, vector<1x1024x128xf32>
    %swap3A_30 = vector.shape_cast %swap3A_29 : vector<1x1024x128xf32> to vector<1024x128xf32>
    %swap3A_31 = vector.shape_cast %mul3A_25 : vector<1024x128xf32> to vector<1x1024x128xf32>
    tpu.vector_store %arg4[%swap3A_26, %swap3A_27, %swap3A_28], %swap3A_31 {strides = array<i32>} : memref<4x1024x128xf32, #tpu.memory_space<vmem>>, vector<1x1024x128xf32>,
    %get3A_32 = arith.constant 2 : index
    %get3A_33 = arith.constant 0 : index
    %get3A_34 = arith.constant 0 : index
    %get3A_35 = vector.load %arg3[%get3A_32, %get3A_33, %get3A_34] : memref<4x128x128xf32, #tpu.memory_space<vmem>>, vector<1x128x128xf32>
    %get3A_36 = vector.shape_cast %get3A_35 : vector<1x128x128xf32> to vector<128x128xf32>
    %dot_general3A_37 = arith.constant dense<0.000000e+00> : vector<1024x128xf32>
    %dot_general3A_38 = tpu.matmul %get3A_1, %get3A_36, %dot_general3A_37 {dimension_numbers = #tpu.dot_dimension_numbers<[1], [0], [0], [1], [0, 0, 1, 1], [], []>, transpose_lhs_hint = false} : vector<1024x128xf32>, vector<128x128xf32>, vector<1024x128xf32> -> vector<1024x128xf32>
    %mul3A_39 = vector.broadcast %get3A_4 : vector<1024x1xf32> to vector<1024x128xf32>
    %mul3A_40 = arith.mulf %mul3A_39, %dot_general3A_38 : vector<1024x128xf32>
    %swap3A_41 = arith.constant 2 : index
    %swap3A_42 = arith.constant 0 : index
    %swap3A_43 = arith.constant 0 : index
    %swap3A_44 = vector.load %arg4[%swap3A_41, %swap3A_42, %swap3A_43] : memref<4x1024x128xf32, #tpu.memory_space<vmem>>, vector<1x1024x128xf32>
    %swap3A_45 = vector.shape_cast %swap3A_44 : vector<1x1024x128xf32> to vector<1024x128xf32>
    %swap3A_46 = vector.shape_cast %mul3A_40 : vector<1024x128xf32> to vector<1x1024x128xf32>
    tpu.vector_store %arg4[%swap3A_41, %swap3A_42, %swap3A_43], %swap3A_46 {strides = array<i32>} : memref<4x1024x128xf32, #tpu.memory_space<vmem>>, vector<1x1024x128xf32>,
    %get3A_47 = arith.constant 3 : index
    %get3A_48 = arith.constant 0 : index
    %get3A_49 = arith.constant 0 : index
    %get3A_50 = vector.load %arg3[%get3A_47, %get3A_48, %get3A_49] : memref<4x128x128xf32, #tpu.memory_space<vmem>>, vector<1x128x128xf32>
    %get3A_51 = vector.shape_cast %get3A_50 : vector<1x128x128xf32> to vector<128x128xf32>
    %dot_general3A_52 = arith.constant dense<0.000000e+00> : vector<1024x128xf32>
    %dot_general3A_53 = tpu.matmul %get3A_1, %get3A_51, %dot_general3A_52 {dimension_numbers = #tpu.dot_dimension_numbers<[1], [0], [0], [1], [0, 0, 1, 1], [], []>, transpose_lhs_hint = false} : vector<1024x128xf32>, vector<128x128xf32>, vector<1024x128xf32> -> vector<1024x128xf32>
    %mul3A_54 = vector.broadcast %get3A_4 : vector<1024x1xf32> to vector<1024x128xf32>
    %mul3A_55 = arith.mulf %mul3A_54, %dot_general3A_53 : vector<1024x128xf32>
    %swap3A_56 = arith.constant 3 : index
    %swap3A_57 = arith.constant 0 : index
    %swap3A_58 = arith.constant 0 : index
    %swap3A_59 = vector.load %arg4[%swap3A_56, %swap3A_57, %swap3A_58] : memref<4x1024x128xf32, #tpu.memory_space<vmem>>, vector<1x1024x128xf32>
    %swap3A_60 = vector.shape_cast %swap3A_59 : vector<1x1024x128xf32> to vector<1024x128xf32>
    %swap3A_61 = vector.shape_cast %mul3A_55 : vector<1024x128xf32> to vector<1x1024x128xf32>
    tpu.vector_store %arg4[%swap3A_56, %swap3A_57, %swap3A_58], %swap3A_61 {strides = array<i32>} : memref<4x1024x128xf32, #tpu.memory_space<vmem>>, vector<1x1024x128xf32>,
    return
  }
  func.func @transform_0(%arg0: i32) -> (i32, i32) {
    %c0_i32 = arith.constant 0 : i32
    %c0_i32_0 = arith.constant 0 : i32
    return %arg0, %c0_i32 : i32, i32
  }
  func.func @transform_1(%arg0: i32) -> (i32, i32) {
    %c0_i32 = arith.constant 0 : i32
    %c0_i32_0 = arith.constant 0 : i32
    return %arg0, %c0_i32 : i32, i32
  }
  func.func @transform_2(%arg0: i32) -> (i32, i32, i32) {
    %c0_i32 = arith.constant 0 : i32
    %c0_i32_0 = arith.constant 0 : i32
    %c0_i32_1 = arith.constant 0 : i32
    %c0_i32_2 = arith.constant 0 : i32
    return %c0_i32, %c0_i32_0, %c0_i32_1 : i32, i32, i32
  }
  func.func @transform_3(%arg0: i32) -> (i32, i32, i32) {
    %c0_i32 = arith.constant 0 : i32
    %c0_i32_0 = arith.constant 0 : i32
    %c0_i32_1 = arith.constant 0 : i32
    return %c0_i32, %arg0, %c0_i32_0 : i32, i32, i32
  }
}

module attributes {stable_mosaic.version = 14 : i64} {
  func.func @_layer_body(%arg0: i32, %arg1: memref<2x1024x128xf32, #tpu.memory_space<vmem>>, %arg2: memref<4x1024x128xf32, #tpu.memory_space<vmem>>, %arg3: memref<1024x1xf32, #tpu.memory_space<vmem>>, %arg4: memref<1024x1xi32, #tpu.memory_space<vmem>>, %arg5: memref<1024x1xi32, #tpu.memory_space<vmem>>, %arg6: memref<1024x128xf32, #tpu.memory_space<vmem>>, %arg7: memref<8x128xf32, #tpu.memory_space<vmem>>) attributes {dimension_semantics = [#tpu.dimension_semantics<arbitrary>], iteration_bounds = array<i64: 10>, scalar_prefetch = 0 : i64, scratch_operands = 0 : i64, tpu.core_type = #tpu.core_type<tc>, window_params = [{transform_indices = @transform_0, window_bounds = array<i64: 2, 1024, 128>}, {transform_indices = @transform_1, window_bounds = array<i64: 4, 1024, 128>}, {transform_indices = @transform_2, window_bounds = array<i64: 1024, 1>}, {transform_indices = @transform_3, window_bounds = array<i64: 1024, 1>}, {transform_indices = @transform_4, window_bounds = array<i64: 1024, 1>}, {transform_indices = @transform_5, window_bounds = array<i64: 1024, 128>}, {pipeline_mode = #tpu.pipeline_mode<synchronous>, transform_indices = @transform_6, window_bounds = array<i64: 8, 128>}]} {
    %get3A = arith.constant 0 : index
    %get3A_0 = arith.constant 0 : index
    %get3A_1 = vector.load %arg4[%get3A, %get3A_0] : memref<1024x1xi32, #tpu.memory_space<vmem>>, vector<1024x1xi32>
    %broadcast_in_dim3A = arith.constant 0.000000e+00 : f32
    %broadcast_in_dim3A_2 = vector.broadcast %broadcast_in_dim3A : f32 to vector<1024x128xf32>
    %eq3A = arith.constant 0 : i32
    %eq3A_3 = vector.broadcast %eq3A : i32 to vector<1024x1xi32>
    %eq3A_4 = arith.cmpi eq, %get3A_1, %eq3A_3 : vector<1024x1xi32>
    %get3A_5 = arith.constant 0 : index
    %get3A_6 = arith.constant 0 : index
    %get3A_7 = arith.constant 0 : index
    %get3A_8 = vector.load %arg2[%get3A_5, %get3A_6, %get3A_7] : memref<4x1024x128xf32, #tpu.memory_space<vmem>>, vector<1x1024x128xf32>
    %get3A_9 = vector.shape_cast %get3A_8 : vector<1x1024x128xf32> to vector<1024x128xf32>
    %broadcast_in_dim3A_10 = vector.shape_cast %eq3A_4 : vector<1024x1xi1> to vector<1024x1xi1>
    %broadcast_in_dim3A_11 = vector.broadcast %broadcast_in_dim3A_10 : vector<1024x1xi1> to vector<1024x128xi1>
    %select_n3A = arith.select %broadcast_in_dim3A_11, %get3A_9, %broadcast_in_dim3A_2 : vector<1024x128xi1>, vector<1024x128xf32>
    %eq3A_12 = arith.constant 1 : i32
    %eq3A_13 = vector.broadcast %eq3A_12 : i32 to vector<1024x1xi32>
    %eq3A_14 = arith.cmpi eq, %get3A_1, %eq3A_13 : vector<1024x1xi32>
    %get3A_15 = arith.constant 1 : index
    %get3A_16 = arith.constant 0 : index
    %get3A_17 = arith.constant 0 : index
    %get3A_18 = vector.load %arg2[%get3A_15, %get3A_16, %get3A_17] : memref<4x1024x128xf32, #tpu.memory_space<vmem>>, vector<1x1024x128xf32>
    %get3A_19 = vector.shape_cast %get3A_18 : vector<1x1024x128xf32> to vector<1024x128xf32>
    %broadcast_in_dim3A_20 = vector.shape_cast %eq3A_14 : vector<1024x1xi1> to vector<1024x1xi1>
    %broadcast_in_dim3A_21 = vector.broadcast %broadcast_in_dim3A_20 : vector<1024x1xi1> to vector<1024x128xi1>
    %select_n3A_22 = arith.select %broadcast_in_dim3A_21, %get3A_19, %select_n3A : vector<1024x128xi1>, vector<1024x128xf32>
    %eq3A_23 = arith.constant 2 : i32
    %eq3A_24 = vector.broadcast %eq3A_23 : i32 to vector<1024x1xi32>
    %eq3A_25 = arith.cmpi eq, %get3A_1, %eq3A_24 : vector<1024x1xi32>
    %get3A_26 = arith.constant 2 : index
    %get3A_27 = arith.constant 0 : index
    %get3A_28 = arith.constant 0 : index
    %get3A_29 = vector.load %arg2[%get3A_26, %get3A_27, %get3A_28] : memref<4x1024x128xf32, #tpu.memory_space<vmem>>, vector<1x1024x128xf32>
    %get3A_30 = vector.shape_cast %get3A_29 : vector<1x1024x128xf32> to vector<1024x128xf32>
    %broadcast_in_dim3A_31 = vector.shape_cast %eq3A_25 : vector<1024x1xi1> to vector<1024x1xi1>
    %broadcast_in_dim3A_32 = vector.broadcast %broadcast_in_dim3A_31 : vector<1024x1xi1> to vector<1024x128xi1>
    %select_n3A_33 = arith.select %broadcast_in_dim3A_32, %get3A_30, %select_n3A_22 : vector<1024x128xi1>, vector<1024x128xf32>
    %eq3A_34 = arith.constant 3 : i32
    %eq3A_35 = vector.broadcast %eq3A_34 : i32 to vector<1024x1xi32>
    %eq3A_36 = arith.cmpi eq, %get3A_1, %eq3A_35 : vector<1024x1xi32>
    %get3A_37 = arith.constant 3 : index
    %get3A_38 = arith.constant 0 : index
    %get3A_39 = arith.constant 0 : index
    %get3A_40 = vector.load %arg2[%get3A_37, %get3A_38, %get3A_39] : memref<4x1024x128xf32, #tpu.memory_space<vmem>>, vector<1x1024x128xf32>
    %get3A_41 = vector.shape_cast %get3A_40 : vector<1x1024x128xf32> to vector<1024x128xf32>
    %broadcast_in_dim3A_42 = vector.shape_cast %eq3A_36 : vector<1024x1xi1> to vector<1024x1xi1>
    %broadcast_in_dim3A_43 = vector.broadcast %broadcast_in_dim3A_42 : vector<1024x1xi1> to vector<1024x128xi1>
    %select_n3A_44 = arith.select %broadcast_in_dim3A_43, %get3A_41, %select_n3A_33 : vector<1024x128xi1>, vector<1024x128xf32>
    %get3A_45 = arith.constant 0 : index
    %get3A_46 = arith.constant 0 : index
    %get3A_47 = vector.load %arg3[%get3A_45, %get3A_46] : memref<1024x1xf32, #tpu.memory_space<vmem>>, vector<1024x1xf32>
    %get3A_48 = arith.constant 0 : index
    %get3A_49 = arith.constant 0 : index
    %get3A_50 = arith.constant 0 : index
    %get3A_51 = vector.load %arg1[%get3A_48, %get3A_49, %get3A_50] : memref<2x1024x128xf32, #tpu.memory_space<vmem>>, vector<1x1024x128xf32>
    %get3A_52 = vector.shape_cast %get3A_51 : vector<1x1024x128xf32> to vector<1024x128xf32>
    %get3A_53 = arith.constant 1 : index
    %get3A_54 = arith.constant 0 : index
    %get3A_55 = arith.constant 0 : index
    %get3A_56 = vector.load %arg1[%get3A_53, %get3A_54, %get3A_55] : memref<2x1024x128xf32, #tpu.memory_space<vmem>>, vector<1x1024x128xf32>
    %get3A_57 = vector.shape_cast %get3A_56 : vector<1x1024x128xf32> to vector<1024x128xf32>
    %add3A = arith.addf %get3A_52, %get3A_57 : vector<1024x128xf32>
    %add3A_58 = arith.addf %add3A, %select_n3A_44 : vector<1024x128xf32>
    %mul3A = vector.broadcast %get3A_47 : vector<1024x1xf32> to vector<1024x128xf32>
    %mul3A_59 = arith.mulf %mul3A, %add3A_58 : vector<1024x128xf32>
    %max3A = arith.constant 0.000000e+00 : f32
    %max3A_60 = vector.broadcast %max3A : f32 to vector<1024x128xf32>
    %max3A_61 = arith.maximumf %mul3A_59, %max3A_60 : vector<1024x128xf32>
    %swap3A = arith.constant 0 : index
    %swap3A_62 = arith.constant 0 : index
    %swap3A_63 = vector.load %arg6[%swap3A, %swap3A_62] : memref<1024x128xf32, #tpu.memory_space<vmem>>, vector<1024x128xf32>
    tpu.vector_store %arg6[%swap3A, %swap3A_62], %max3A_61 {strides = array<i32>} : memref<1024x128xf32, #tpu.memory_space<vmem>>, vector<1024x128xf32>,
    %get3A_64 = arith.constant 0 : index
    %get3A_65 = arith.constant 0 : index
    %get3A_66 = vector.load %arg5[%get3A_64, %get3A_65] : memref<1024x1xi32, #tpu.memory_space<vmem>>, vector<1024x1xi32>
    %iota3A = tpu.iota {dimensions = array<i32: 1>} : vector<1x8xi32>
    %eq3A_67 = vector.broadcast %get3A_66 : vector<1024x1xi32> to vector<1024x8xi32>
    %eq3A_68 = vector.broadcast %iota3A : vector<1x8xi32> to vector<1024x8xi32>
    %eq3A_69 = arith.cmpi eq, %eq3A_67, %eq3A_68 : vector<1024x8xi32>
    %convert_element_type3A = arith.extui %eq3A_69 : vector<1024x8xi1> to vector<1024x8xi32>
    %convert_element_type3A_70 = arith.sitofp %convert_element_type3A : vector<1024x8xi32> to vector<1024x8xf32>
    %dot_general3A = arith.constant dense<0.000000e+00> : vector<8x128xf32>
    %dot_general3A_71 = tpu.matmul %convert_element_type3A_70, %max3A_61, %dot_general3A {dimension_numbers = #tpu.dot_dimension_numbers<[0], [0], [1], [1], [0, 1, 1, 1], [], []>, precision = #tpu.contract_precision<fp32>, transpose_lhs_hint = false} : vector<1024x8xf32>, vector<1024x128xf32>, vector<8x128xf32> -> vector<8x128xf32>
    %eq3A_72 = arith.constant 0 : i32
    %eq3A_73 = arith.cmpi eq, %arg0, %eq3A_72 : i32
    %convert_element_type3A_74 = arith.extui %eq3A_73 : i1 to i32
    %cond3A = arith.constant 0 : i32
    %cond3A_75 = arith.cmpi ne, %convert_element_type3A_74, %cond3A : i32
    scf.if %cond3A_75 {
      %broadcast_in_dim3A_83 = arith.constant 0.000000e+00 : f32
      %broadcast_in_dim3A_84 = vector.broadcast %broadcast_in_dim3A_83 : f32 to vector<8x128xf32>
      %swap3A_85 = arith.constant 0 : index
      %swap3A_86 = arith.constant 0 : index
      %swap3A_87 = vector.load %arg7[%swap3A_85, %swap3A_86] : memref<8x128xf32, #tpu.memory_space<vmem>>, vector<8x128xf32>
      tpu.vector_store %arg7[%swap3A_85, %swap3A_86], %broadcast_in_dim3A_84 {strides = array<i32>} : memref<8x128xf32, #tpu.memory_space<vmem>>, vector<8x128xf32>,
    } else {
    }
    %get3A_76 = arith.constant 0 : index
    %get3A_77 = arith.constant 0 : index
    %get3A_78 = vector.load %arg7[%get3A_76, %get3A_77] : memref<8x128xf32, #tpu.memory_space<vmem>>, vector<8x128xf32>
    %add3A_79 = arith.addf %get3A_78, %dot_general3A_71 : vector<8x128xf32>
    %swap3A_80 = arith.constant 0 : index
    %swap3A_81 = arith.constant 0 : index
    %swap3A_82 = vector.load %arg7[%swap3A_80, %swap3A_81] : memref<8x128xf32, #tpu.memory_space<vmem>>, vector<8x128xf32>
    tpu.vector_store %arg7[%swap3A_80, %swap3A_81], %add3A_79 {strides = array<i32>} : memref<8x128xf32, #tpu.memory_space<vmem>>, vector<8x128xf32>,
    return
  }
  func.func @transform_0(%arg0: i32) -> (i32, i32, i32) {
    %c0_i32 = arith.constant 0 : i32
    %c0_i32_0 = arith.constant 0 : i32
    %c0_i32_1 = arith.constant 0 : i32
    return %c0_i32, %arg0, %c0_i32_0 : i32, i32, i32
  }
  func.func @transform_1(%arg0: i32) -> (i32, i32, i32) {
    %c0_i32 = arith.constant 0 : i32
    %c0_i32_0 = arith.constant 0 : i32
    %c0_i32_1 = arith.constant 0 : i32
    return %c0_i32, %arg0, %c0_i32_0 : i32, i32, i32
  }
  func.func @transform_2(%arg0: i32) -> (i32, i32) {
    %c0_i32 = arith.constant 0 : i32
    %c0_i32_0 = arith.constant 0 : i32
    return %arg0, %c0_i32 : i32, i32
  }
  func.func @transform_3(%arg0: i32) -> (i32, i32) {
    %c0_i32 = arith.constant 0 : i32
    %c0_i32_0 = arith.constant 0 : i32
    return %arg0, %c0_i32 : i32, i32
  }
  func.func @transform_4(%arg0: i32) -> (i32, i32) {
    %c0_i32 = arith.constant 0 : i32
    %c0_i32_0 = arith.constant 0 : i32
    return %arg0, %c0_i32 : i32, i32
  }
  func.func @transform_5(%arg0: i32) -> (i32, i32) {
    %c0_i32 = arith.constant 0 : i32
    %c0_i32_0 = arith.constant 0 : i32
    return %arg0, %c0_i32 : i32, i32
  }
  func.func @transform_6(%arg0: i32) -> (i32, i32) {
    %c0_i32 = arith.constant 0 : i32
    %c0_i32_0 = arith.constant 0 : i32
    %c0_i32_1 = arith.constant 0 : i32
    return %c0_i32, %c0_i32_0 : i32, i32
  }
}

module attributes {stable_mosaic.version = 14 : i64} {
  func.func @_layer_body(%arg0: i32, %arg1: memref<2x1024x128xf32, #tpu.memory_space<vmem>>, %arg2: memref<4x1024x128xf32, #tpu.memory_space<vmem>>, %arg3: memref<1024x1xf32, #tpu.memory_space<vmem>>, %arg4: memref<1024x1xi32, #tpu.memory_space<vmem>>, %arg5: memref<1024x1xi32, #tpu.memory_space<vmem>>, %arg6: memref<8x128xf32, #tpu.memory_space<vmem>>) attributes {dimension_semantics = [#tpu.dimension_semantics<arbitrary>], iteration_bounds = array<i64: 10>, scalar_prefetch = 0 : i64, scratch_operands = 0 : i64, tpu.core_type = #tpu.core_type<tc>, window_params = [{transform_indices = @transform_0, window_bounds = array<i64: 2, 1024, 128>}, {transform_indices = @transform_1, window_bounds = array<i64: 4, 1024, 128>}, {transform_indices = @transform_2, window_bounds = array<i64: 1024, 1>}, {transform_indices = @transform_3, window_bounds = array<i64: 1024, 1>}, {transform_indices = @transform_4, window_bounds = array<i64: 1024, 1>}, {pipeline_mode = #tpu.pipeline_mode<synchronous>, transform_indices = @transform_5, window_bounds = array<i64: 8, 128>}]} {
    %get3A = arith.constant 0 : index
    %get3A_0 = arith.constant 0 : index
    %get3A_1 = vector.load %arg4[%get3A, %get3A_0] : memref<1024x1xi32, #tpu.memory_space<vmem>>, vector<1024x1xi32>
    %broadcast_in_dim3A = arith.constant 0.000000e+00 : f32
    %broadcast_in_dim3A_2 = vector.broadcast %broadcast_in_dim3A : f32 to vector<1024x128xf32>
    %eq3A = arith.constant 0 : i32
    %eq3A_3 = vector.broadcast %eq3A : i32 to vector<1024x1xi32>
    %eq3A_4 = arith.cmpi eq, %get3A_1, %eq3A_3 : vector<1024x1xi32>
    %get3A_5 = arith.constant 0 : index
    %get3A_6 = arith.constant 0 : index
    %get3A_7 = arith.constant 0 : index
    %get3A_8 = vector.load %arg2[%get3A_5, %get3A_6, %get3A_7] : memref<4x1024x128xf32, #tpu.memory_space<vmem>>, vector<1x1024x128xf32>
    %get3A_9 = vector.shape_cast %get3A_8 : vector<1x1024x128xf32> to vector<1024x128xf32>
    %broadcast_in_dim3A_10 = vector.shape_cast %eq3A_4 : vector<1024x1xi1> to vector<1024x1xi1>
    %broadcast_in_dim3A_11 = vector.broadcast %broadcast_in_dim3A_10 : vector<1024x1xi1> to vector<1024x128xi1>
    %select_n3A = arith.select %broadcast_in_dim3A_11, %get3A_9, %broadcast_in_dim3A_2 : vector<1024x128xi1>, vector<1024x128xf32>
    %eq3A_12 = arith.constant 1 : i32
    %eq3A_13 = vector.broadcast %eq3A_12 : i32 to vector<1024x1xi32>
    %eq3A_14 = arith.cmpi eq, %get3A_1, %eq3A_13 : vector<1024x1xi32>
    %get3A_15 = arith.constant 1 : index
    %get3A_16 = arith.constant 0 : index
    %get3A_17 = arith.constant 0 : index
    %get3A_18 = vector.load %arg2[%get3A_15, %get3A_16, %get3A_17] : memref<4x1024x128xf32, #tpu.memory_space<vmem>>, vector<1x1024x128xf32>
    %get3A_19 = vector.shape_cast %get3A_18 : vector<1x1024x128xf32> to vector<1024x128xf32>
    %broadcast_in_dim3A_20 = vector.shape_cast %eq3A_14 : vector<1024x1xi1> to vector<1024x1xi1>
    %broadcast_in_dim3A_21 = vector.broadcast %broadcast_in_dim3A_20 : vector<1024x1xi1> to vector<1024x128xi1>
    %select_n3A_22 = arith.select %broadcast_in_dim3A_21, %get3A_19, %select_n3A : vector<1024x128xi1>, vector<1024x128xf32>
    %eq3A_23 = arith.constant 2 : i32
    %eq3A_24 = vector.broadcast %eq3A_23 : i32 to vector<1024x1xi32>
    %eq3A_25 = arith.cmpi eq, %get3A_1, %eq3A_24 : vector<1024x1xi32>
    %get3A_26 = arith.constant 2 : index
    %get3A_27 = arith.constant 0 : index
    %get3A_28 = arith.constant 0 : index
    %get3A_29 = vector.load %arg2[%get3A_26, %get3A_27, %get3A_28] : memref<4x1024x128xf32, #tpu.memory_space<vmem>>, vector<1x1024x128xf32>
    %get3A_30 = vector.shape_cast %get3A_29 : vector<1x1024x128xf32> to vector<1024x128xf32>
    %broadcast_in_dim3A_31 = vector.shape_cast %eq3A_25 : vector<1024x1xi1> to vector<1024x1xi1>
    %broadcast_in_dim3A_32 = vector.broadcast %broadcast_in_dim3A_31 : vector<1024x1xi1> to vector<1024x128xi1>
    %select_n3A_33 = arith.select %broadcast_in_dim3A_32, %get3A_30, %select_n3A_22 : vector<1024x128xi1>, vector<1024x128xf32>
    %eq3A_34 = arith.constant 3 : i32
    %eq3A_35 = vector.broadcast %eq3A_34 : i32 to vector<1024x1xi32>
    %eq3A_36 = arith.cmpi eq, %get3A_1, %eq3A_35 : vector<1024x1xi32>
    %get3A_37 = arith.constant 3 : index
    %get3A_38 = arith.constant 0 : index
    %get3A_39 = arith.constant 0 : index
    %get3A_40 = vector.load %arg2[%get3A_37, %get3A_38, %get3A_39] : memref<4x1024x128xf32, #tpu.memory_space<vmem>>, vector<1x1024x128xf32>
    %get3A_41 = vector.shape_cast %get3A_40 : vector<1x1024x128xf32> to vector<1024x128xf32>
    %broadcast_in_dim3A_42 = vector.shape_cast %eq3A_36 : vector<1024x1xi1> to vector<1024x1xi1>
    %broadcast_in_dim3A_43 = vector.broadcast %broadcast_in_dim3A_42 : vector<1024x1xi1> to vector<1024x128xi1>
    %select_n3A_44 = arith.select %broadcast_in_dim3A_43, %get3A_41, %select_n3A_33 : vector<1024x128xi1>, vector<1024x128xf32>
    %get3A_45 = arith.constant 0 : index
    %get3A_46 = arith.constant 0 : index
    %get3A_47 = vector.load %arg3[%get3A_45, %get3A_46] : memref<1024x1xf32, #tpu.memory_space<vmem>>, vector<1024x1xf32>
    %get3A_48 = arith.constant 0 : index
    %get3A_49 = arith.constant 0 : index
    %get3A_50 = arith.constant 0 : index
    %get3A_51 = vector.load %arg1[%get3A_48, %get3A_49, %get3A_50] : memref<2x1024x128xf32, #tpu.memory_space<vmem>>, vector<1x1024x128xf32>
    %get3A_52 = vector.shape_cast %get3A_51 : vector<1x1024x128xf32> to vector<1024x128xf32>
    %get3A_53 = arith.constant 1 : index
    %get3A_54 = arith.constant 0 : index
    %get3A_55 = arith.constant 0 : index
    %get3A_56 = vector.load %arg1[%get3A_53, %get3A_54, %get3A_55] : memref<2x1024x128xf32, #tpu.memory_space<vmem>>, vector<1x1024x128xf32>
    %get3A_57 = vector.shape_cast %get3A_56 : vector<1x1024x128xf32> to vector<1024x128xf32>
    %add3A = arith.addf %get3A_52, %get3A_57 : vector<1024x128xf32>
    %add3A_58 = arith.addf %add3A, %select_n3A_44 : vector<1024x128xf32>
    %mul3A = vector.broadcast %get3A_47 : vector<1024x1xf32> to vector<1024x128xf32>
    %mul3A_59 = arith.mulf %mul3A, %add3A_58 : vector<1024x128xf32>
    %max3A = arith.constant 0.000000e+00 : f32
    %max3A_60 = vector.broadcast %max3A : f32 to vector<1024x128xf32>
    %max3A_61 = arith.maximumf %mul3A_59, %max3A_60 : vector<1024x128xf32>
    %get3A_62 = arith.constant 0 : index
    %get3A_63 = arith.constant 0 : index
    %get3A_64 = vector.load %arg5[%get3A_62, %get3A_63] : memref<1024x1xi32, #tpu.memory_space<vmem>>, vector<1024x1xi32>
    %iota3A = tpu.iota {dimensions = array<i32: 1>} : vector<1x8xi32>
    %eq3A_65 = vector.broadcast %get3A_64 : vector<1024x1xi32> to vector<1024x8xi32>
    %eq3A_66 = vector.broadcast %iota3A : vector<1x8xi32> to vector<1024x8xi32>
    %eq3A_67 = arith.cmpi eq, %eq3A_65, %eq3A_66 : vector<1024x8xi32>
    %convert_element_type3A = arith.extui %eq3A_67 : vector<1024x8xi1> to vector<1024x8xi32>
    %convert_element_type3A_68 = arith.sitofp %convert_element_type3A : vector<1024x8xi32> to vector<1024x8xf32>
    %dot_general3A = arith.constant dense<0.000000e+00> : vector<8x128xf32>
    %dot_general3A_69 = tpu.matmul %convert_element_type3A_68, %max3A_61, %dot_general3A {dimension_numbers = #tpu.dot_dimension_numbers<[0], [0], [1], [1], [0, 1, 1, 1], [], []>, precision = #tpu.contract_precision<fp32>, transpose_lhs_hint = false} : vector<1024x8xf32>, vector<1024x128xf32>, vector<8x128xf32> -> vector<8x128xf32>
    %eq3A_70 = arith.constant 0 : i32
    %eq3A_71 = arith.cmpi eq, %arg0, %eq3A_70 : i32
    %convert_element_type3A_72 = arith.extui %eq3A_71 : i1 to i32
    %cond3A = arith.constant 0 : i32
    %cond3A_73 = arith.cmpi ne, %convert_element_type3A_72, %cond3A : i32
    scf.if %cond3A_73 {
      %broadcast_in_dim3A_80 = arith.constant 0.000000e+00 : f32
      %broadcast_in_dim3A_81 = vector.broadcast %broadcast_in_dim3A_80 : f32 to vector<8x128xf32>
      %swap3A_82 = arith.constant 0 : index
      %swap3A_83 = arith.constant 0 : index
      %swap3A_84 = vector.load %arg6[%swap3A_82, %swap3A_83] : memref<8x128xf32, #tpu.memory_space<vmem>>, vector<8x128xf32>
      tpu.vector_store %arg6[%swap3A_82, %swap3A_83], %broadcast_in_dim3A_81 {strides = array<i32>} : memref<8x128xf32, #tpu.memory_space<vmem>>, vector<8x128xf32>,
    } else {
    }
    %get3A_74 = arith.constant 0 : index
    %get3A_75 = arith.constant 0 : index
    %get3A_76 = vector.load %arg6[%get3A_74, %get3A_75] : memref<8x128xf32, #tpu.memory_space<vmem>>, vector<8x128xf32>
    %add3A_77 = arith.addf %get3A_76, %dot_general3A_69 : vector<8x128xf32>
    %swap3A = arith.constant 0 : index
    %swap3A_78 = arith.constant 0 : index
    %swap3A_79 = vector.load %arg6[%swap3A, %swap3A_78] : memref<8x128xf32, #tpu.memory_space<vmem>>, vector<8x128xf32>
    tpu.vector_store %arg6[%swap3A, %swap3A_78], %add3A_77 {strides = array<i32>} : memref<8x128xf32, #tpu.memory_space<vmem>>, vector<8x128xf32>,
    return
  }
  func.func @transform_0(%arg0: i32) -> (i32, i32, i32) {
    %c0_i32 = arith.constant 0 : i32
    %c0_i32_0 = arith.constant 0 : i32
    %c0_i32_1 = arith.constant 0 : i32
    return %c0_i32, %arg0, %c0_i32_0 : i32, i32, i32
  }
  func.func @transform_1(%arg0: i32) -> (i32, i32, i32) {
    %c0_i32 = arith.constant 0 : i32
    %c0_i32_0 = arith.constant 0 : i32
    %c0_i32_1 = arith.constant 0 : i32
    return %c0_i32, %arg0, %c0_i32_0 : i32, i32, i32
  }
  func.func @transform_2(%arg0: i32) -> (i32, i32) {
    %c0_i32 = arith.constant 0 : i32
    %c0_i32_0 = arith.constant 0 : i32
    return %arg0, %c0_i32 : i32, i32
  }
  func.func @transform_3(%arg0: i32) -> (i32, i32) {
    %c0_i32 = arith.constant 0 : i32
    %c0_i32_0 = arith.constant 0 : i32
    return %arg0, %c0_i32 : i32, i32
  }
  func.func @transform_4(%arg0: i32) -> (i32, i32) {
    %c0_i32 = arith.constant 0 : i32
    %c0_i32_0 = arith.constant 0 : i32
    return %arg0, %c0_i32 : i32, i32
  }
  func.func @transform_5(%arg0: i32) -> (i32, i32) {
    %c0_i32 = arith.constant 0 : i32
    %c0_i32_0 = arith.constant 0 : i32
    %c0_i32_1 = arith.constant 0 : i32
    return %c0_i32, %c0_i32_0 : i32, i32
  }
}

module attributes {stable_mosaic.version = 14 : i64} {
  func.func @_head_body(%arg0: memref<8x128xf32, #tpu.memory_space<vmem>>, %arg1: memref<8x128xf32, #tpu.memory_space<vmem>>, %arg2: memref<256x128xf32, #tpu.memory_space<vmem>>, %arg3: memref<1x128xf32, #tpu.memory_space<vmem>>, %arg4: memref<1x128xf32, #tpu.memory_space<vmem>>, %arg5: memref<1x128xf32, #tpu.memory_space<vmem>>, %arg6: memref<128x64xf32, #tpu.memory_space<vmem>>, %arg7: memref<1x64xf32, #tpu.memory_space<vmem>>, %arg8: memref<8x64xf32, #tpu.memory_space<vmem>>) attributes {dimension_semantics = [], scalar_prefetch = 0 : i64, scratch_operands = 0 : i64, tpu.core_type = #tpu.core_type<tc>} {
    %get3A = arith.constant 0 : index
    %get3A_0 = arith.constant 0 : index
    %get3A_1 = vector.load %arg0[%get3A, %get3A_0] : memref<8x128xf32, #tpu.memory_space<vmem>>, vector<8x128xf32>
    %get3A_2 = arith.constant 0 : index
    %get3A_3 = arith.constant 0 : index
    %get3A_4 = vector.load %arg1[%get3A_2, %get3A_3] : memref<8x128xf32, #tpu.memory_space<vmem>>, vector<8x128xf32>
    %concatenate3A = tpu.concatenate %get3A_1, %get3A_4 in 1 : vector<8x128xf32>, vector<8x128xf32> -> vector<8x256xf32>
    %get3A_5 = arith.constant 0 : index
    %get3A_6 = arith.constant 0 : index
    %get3A_7 = vector.load %arg2[%get3A_5, %get3A_6] : memref<256x128xf32, #tpu.memory_space<vmem>>, vector<256x128xf32>
    %dot_general3A = arith.constant dense<0.000000e+00> : vector<8x128xf32>
    %dot_general3A_8 = tpu.matmul %concatenate3A, %get3A_7, %dot_general3A {dimension_numbers = #tpu.dot_dimension_numbers<[1], [0], [0], [1], [0, 0, 1, 1], [], []>, transpose_lhs_hint = false} : vector<8x256xf32>, vector<256x128xf32>, vector<8x128xf32> -> vector<8x128xf32>
    %get3A_9 = arith.constant 0 : index
    %get3A_10 = arith.constant 0 : index
    %get3A_11 = vector.load %arg3[%get3A_9, %get3A_10] : memref<1x128xf32, #tpu.memory_space<vmem>>, vector<1x128xf32>
    %add3A = vector.broadcast %get3A_11 : vector<1x128xf32> to vector<8x128xf32>
    %add3A_12 = arith.addf %dot_general3A_8, %add3A : vector<8x128xf32>
    %reduce_sum3A = arith.constant dense<0.000000e+00> : vector<128xf32>
    %reduce_sum3A_13 = vector.multi_reduction <add>, %add3A_12, %reduce_sum3A [0] : vector<8x128xf32> to vector<128xf32>
    %broadcast_in_dim3A = vector.shape_cast %reduce_sum3A_13 : vector<128xf32> to vector<1x128xf32>
    %div3A = arith.constant 8.000000e+00 : f32
    %div3A_14 = vector.broadcast %div3A : f32 to vector<1x128xf32>
    %div3A_15 = arith.divf %broadcast_in_dim3A, %div3A_14 : vector<1x128xf32>
    %sub3A = vector.broadcast %div3A_15 : vector<1x128xf32> to vector<8x128xf32>
    %sub3A_16 = arith.subf %add3A_12, %sub3A : vector<8x128xf32>
    %square3A = arith.mulf %sub3A_16, %sub3A_16 : vector<8x128xf32>
    %reduce_sum3A_17 = arith.constant dense<0.000000e+00> : vector<128xf32>
    %reduce_sum3A_18 = vector.multi_reduction <add>, %square3A, %reduce_sum3A_17 [0] : vector<8x128xf32> to vector<128xf32>
    %broadcast_in_dim3A_19 = vector.shape_cast %reduce_sum3A_18 : vector<128xf32> to vector<1x128xf32>
    %div3A_20 = arith.constant 8.000000e+00 : f32
    %div3A_21 = vector.broadcast %div3A_20 : f32 to vector<1x128xf32>
    %div3A_22 = arith.divf %broadcast_in_dim3A_19, %div3A_21 : vector<1x128xf32>
    %sub3A_23 = vector.broadcast %div3A_15 : vector<1x128xf32> to vector<8x128xf32>
    %sub3A_24 = arith.subf %add3A_12, %sub3A_23 : vector<8x128xf32>
    %add3A_25 = arith.constant 9.99999974E-6 : f32
    %add3A_26 = vector.broadcast %add3A_25 : f32 to vector<1x128xf32>
    %add3A_27 = arith.addf %div3A_22, %add3A_26 : vector<1x128xf32>
    %rsqrt3A = math.rsqrt %add3A_27 : vector<1x128xf32>
    %mul3A = vector.broadcast %rsqrt3A : vector<1x128xf32> to vector<8x128xf32>
    %mul3A_28 = arith.mulf %sub3A_24, %mul3A : vector<8x128xf32>
    %get3A_29 = arith.constant 0 : index
    %get3A_30 = arith.constant 0 : index
    %get3A_31 = vector.load %arg4[%get3A_29, %get3A_30] : memref<1x128xf32, #tpu.memory_space<vmem>>, vector<1x128xf32>
    %mul3A_32 = vector.broadcast %get3A_31 : vector<1x128xf32> to vector<8x128xf32>
    %mul3A_33 = arith.mulf %mul3A_28, %mul3A_32 : vector<8x128xf32>
    %get3A_34 = arith.constant 0 : index
    %get3A_35 = arith.constant 0 : index
    %get3A_36 = vector.load %arg5[%get3A_34, %get3A_35] : memref<1x128xf32, #tpu.memory_space<vmem>>, vector<1x128xf32>
    %add3A_37 = vector.broadcast %get3A_36 : vector<1x128xf32> to vector<8x128xf32>
    %add3A_38 = arith.addf %mul3A_33, %add3A_37 : vector<8x128xf32>
    %max3A = arith.constant 0.000000e+00 : f32
    %max3A_39 = vector.broadcast %max3A : f32 to vector<8x128xf32>
    %max3A_40 = arith.maximumf %add3A_38, %max3A_39 : vector<8x128xf32>
    %get3A_41 = arith.constant 0 : index
    %get3A_42 = arith.constant 0 : index
    %get3A_43 = vector.load %arg6[%get3A_41, %get3A_42] : memref<128x64xf32, #tpu.memory_space<vmem>>, vector<128x64xf32>
    %dot_general3A_44 = arith.constant dense<0.000000e+00> : vector<8x64xf32>
    %dot_general3A_45 = tpu.matmul %max3A_40, %get3A_43, %dot_general3A_44 {dimension_numbers = #tpu.dot_dimension_numbers<[1], [0], [0], [1], [0, 0, 1, 1], [], []>, transpose_lhs_hint = false} : vector<8x128xf32>, vector<128x64xf32>, vector<8x64xf32> -> vector<8x64xf32>
    %get3A_46 = arith.constant 0 : index
    %get3A_47 = arith.constant 0 : index
    %get3A_48 = vector.load %arg7[%get3A_46, %get3A_47] : memref<1x64xf32, #tpu.memory_space<vmem>>, vector<1x64xf32>
    %add3A_49 = vector.broadcast %get3A_48 : vector<1x64xf32> to vector<8x64xf32>
    %add3A_50 = arith.addf %dot_general3A_45, %add3A_49 : vector<8x64xf32>
    %swap3A = arith.constant 0 : index
    %swap3A_51 = arith.constant 0 : index
    %swap3A_52 = vector.load %arg8[%swap3A, %swap3A_51] : memref<8x64xf32, #tpu.memory_space<vmem>>, vector<8x64xf32>
    tpu.vector_store %arg8[%swap3A, %swap3A_51], %add3A_50 {strides = array<i32>} : memref<8x64xf32, #tpu.memory_space<vmem>>, vector<8x64xf32>,
    return
  }
}

</mosaic_0001>

<sc_bundles>
// kernel: kernel.11.cloned.1.call-start
scs
__scs_entry_jumppad:
0x0: {  	(pc) =	sbr.rel $0x88, $3  }
0x1: {  	(tag) =	ssettag $0x0;
	lr =	simm.s32 $0x1  }
0x2: {  	[smem:$0x3F97] =	sst lr;
	_ =	strace $0xD0000000  }
0x3: {  	_ = 	snop  }
0x4: {  	_ = 	snop  }
0x5: {  	_ = 	snop  }
0x6: {  	_ = 	snop  }
0x7: {  	_ = 	snop  }
__scs_overlays_trampoline_lowered:
0x8: {  	[smem:$0x3FA6] =	sst s0  }
0x9: {  	[smem:$0x3FA7] =	sst s1  }
0xa: {  	[smem:$0x3FA8] =	sst s2  }
0xb: {  	[smem:$0x3FA9] =	sst s3  }
0xc: {  	[smem:$0x3FAA] =	sst s4  }
0xd: {  	[smem:$0x3FAB] =	sst s5  }
0xe: {  	[smem:$0x3FAC] =	sst s6  }
0xf: {  	[smem:$0x3FAD] =	sst s7  }
0x10: {  	[smem:$0x3FAE] =	sst s8  }
0x11: {  	[smem:$0x3FAF] =	sst s9;
	s0 =	simm.s32 @!p0 $0x0  }
0x12: {  	s1 =	sld [smem:$0x3F95];
	s0 =	simm.s32 @p0 $0x1  }
0x13: {  	[smem:$0x3FB0] =	sst s0;
	s0 =	simm.s32 @!p1 $0x0  }
0x14: {  	s2 =	sld [smem:$0x3F94];
	s0 =	simm.s32 @p1 $0x1  }
0x15: {  	[smem:$0x3FB1] =	sst s0;
	s0 =	simm.s32 @!p2 $0x0  }
0x16: {  	s3 =	sld [smem:$0x3FDB];
	s0 =	simm.s32 @p2 $0x1  }
0x17: {  	s4 =	simm.s32 $0x1BF5;
	[smem:$0x3FB3] =	sst s0  }
0x18: {  	s0 =	sld [smem:$0x3F96];
	_ =	swait.ge [sflag:s4], $0x0  }
0x19: {  	s7 =	sld [smem:$0x3F97]  }
0x1a: {  	s8 =	sadd.s32 $0xFFFFE003, lr  }
0x1b: {  	s9 =	sadd.s32 $0xFFFFFEF7, lr;
	s5 =	simm.s32 $0xFFFFFFFF;
	p2 =	slt.u32 s8, $0xFFFFF086  }
0x1c: {  	p1 =	slt.u32 s9, $0xF7A;
	s5 =	simm.s32 @!p2 $0x0  }
0x1d: {  	s5 =	simm.s32 @p1 $0x1;
	p0 =	seq.s32 s7, s2  }
0x1e: {  	s7 =	smul.u32 @!p0 $0xF7A, s2;
	p2 =	seq.s32 @!p0 s5, $0x0  }
0x1f: {  	s9 =	smul.u32 $0xF7A, s1;
	s8 =	simm.s32 @!p0 $0x1BF5;
	p2 =	por !p2, p0  }
0x20: {  	[sflag:s8] =	ssyncset.s32 @!p0 $0xFFFFF086;
	s6 =	sadd.s32 @!p0 s3, s7;
	s7 =	simm.s32 @!p0 $0x108  }
0x21: {  	s3 =	sadd.s32 s3, s9;
	s6 =	sadd.s32 @!p0 $0x88, s6;
	s7 =	simm.s32 @p2 $0x1082  }
0x22: {  	[simem:s7], [sflag:s8] =	dma.local @!p0 [hbm:s6], $0xF7A  }
0x23: {  	s9 =	sor.u32 $0xD0000000, s2;
	s6 =	simm.s32 $0x108;
	_ =	swait.ge @!p0 [sflag:s8], $0x0  }
0x24: {  	s3 =	sadd.s32 $0x88, s3;
	s6 =	simm.s32 @!p1 $0x1082;
	[sflag:s4] =	ssyncset.s32 $0xFFFFF086  }
0x25: {  	[simem:s6], [sflag:s4] =	dma.local [hbm:s3], $0xF7A  }
0x26: {  	[smem:$0x3F97] =	sst s1;
	(tag) =	ssettag s2;
	_ =	strace s9  }
0x27: {  	s1 =	sld [smem:$0x3FA7]  }
0x28: {  	s2 =	sld [smem:$0x3FA8]  }
0x29: {  	s4 =	sld [smem:$0x3FAA]  }
0x2a: {  	p0 =	seq.s32 s5, $0x0;
	s5 =	sld [smem:$0x3FAB]  }
0x2b: {  	s6 =	sld [smem:$0x3FAC]  }
0x2c: {  	s7 =	sld [smem:$0x3FAD]  }
0x2d: {  	s3 =	simm.s32 $0x108;
	s8 =	sld [smem:$0x3FAE]  }
0x2e: {  	s3 =	simm.s32 @!p0 $0x1082;
	s9 =	sld [smem:$0x3FAF]  }
0x2f: {  	lr =	sadd.s32 s0, s3;
	s0 =	sld [smem:$0x3FA6]  }
0x30: {  	s3 =	sld [smem:$0x3FA9]  }
0x31: {  	[smem:$0x3FB2] =	sst s10  }
0x32: {  	s10 =	sld [smem:$0x3FB0];
	_ =	sdelay $0x3  }
0x33: {  	p0 =	seq.s32 s10, $0x1;
	s10 =	sld [smem:$0x3FB2];
	_ =	sdelay $0x3  }
0x34: {  	[smem:$0x3FB2] =	sst s10  }
0x35: {  	s10 =	sld [smem:$0x3FB1];
	_ =	sdelay $0x3  }
0x36: {  	p1 =	seq.s32 s10, $0x1;
	s10 =	sld [smem:$0x3FB2];
	_ =	sdelay $0x3  }
0x37: {  	[smem:$0x3FB2] =	sst s10  }
0x38: {  	s10 =	sld [smem:$0x3FB3]  }
0x39: {  	_ = 	snop;
	(pc) =	sbr.ind lr, $3  }
0x3a: {  	_ = 	snop  }
0x3b: {  	_ = 	snop  }
0x3c: {  	p2 =	seq.s32 s10, $0x1;
	s10 =	sld [smem:$0x3FB2]  }
0x3d: {  	_ =	shalt  }
0x3e: {  	_ =	shalt  }
0x3f: {  	_ =	shalt  }
0x40: {  	_ =	shalt  }
0x41: {  	_ =	shalt  }
0x42: {  	_ =	shalt  }
0x43: {  	_ =	shalt  }
0x44: {  	_ =	shalt  }
0x45: {  	_ =	shalt  }
0x46: {  	_ =	shalt  }
0x47: {  	_ =	shalt  }
0x48: {  	_ =	shalt  }
0x49: {  	_ =	shalt  }
0x4a: {  	_ =	shalt  }
0x4b: {  	_ =	shalt  }
0x4c: {  	_ =	shalt  }
0x4d: {  	_ =	shalt  }
0x4e: {  	_ =	shalt  }
0x4f: {  	_ =	shalt  }
0x50: {  	_ =	shalt  }
0x51: {  	_ =	shalt  }
0x52: {  	_ =	shalt  }
0x53: {  	_ =	shalt  }
0x54: {  	_ =	shalt  }
0x55: {  	_ =	shalt  }
0x56: {  	_ =	shalt  }
0x57: {  	_ =	shalt  }
0x58: {  	_ =	shalt  }
0x59: {  	_ =	shalt  }
0x5a: {  	_ =	shalt  }
0x5b: {  	_ =	shalt  }
0x5c: {  	_ =	shalt  }
0x5d: {  	_ =	shalt  }
0x5e: {  	_ =	shalt  }
0x5f: {  	_ =	shalt  }
0x60: {  	_ =	shalt  }
0x61: {  	_ =	shalt  }
0x62: {  	_ =	shalt  }
0x63: {  	_ =	shalt  }
0x64: {  	_ =	shalt  }
0x65: {  	_ =	shalt  }
0x66: {  	_ =	shalt  }
0x67: {  	_ =	shalt  }
0x68: {  	_ =	shalt  }
0x69: {  	_ =	shalt  }
0x6a: {  	_ =	shalt  }
0x6b: {  	_ =	shalt  }
0x6c: {  	_ =	shalt  }
0x6d: {  	_ =	shalt  }
0x6e: {  	_ =	shalt  }
0x6f: {  	_ =	shalt  }
0x70: {  	_ =	shalt  }
0x71: {  	_ =	shalt  }
0x72: {  	_ =	shalt  }
0x73: {  	_ =	shalt  }
0x74: {  	_ =	shalt  }
0x75: {  	_ =	shalt  }
0x76: {  	_ =	shalt  }
0x77: {  	_ =	shalt  }
0x78: {  	_ =	shalt  }
0x79: {  	_ =	shalt  }
0x7a: {  	_ =	shalt  }
0x7b: {  	_ =	shalt  }
0x7c: {  	_ =	shalt  }
0x7d: {  	_ =	shalt  }
0x7e: {  	_ =	shalt  }
0x7f: {  	_ =	shalt  }
0x80: {  	_ =	shalt  }
0x81: {  	_ =	shalt  }
0x82: {  	_ =	shalt  }
0x83: {  	_ =	shalt  }
0x84: {  	_ =	shalt  }
0x85: {  	_ =	shalt  }
0x86: {  	_ =	shalt  }
0x87: {  	_ =	shalt  }
.Lfunc_end0:
.L_simem_size_0:
called_computation_lowered:
.L_overlay_start_0:
0x88: {  	s2 =	sld [smem:$0x3FD9]  }
0x89: {  	s3 =	sld [smem:$0x3FFE];
	_ =	sdelay $0x1  }
0x8a: {  	s1 =	srdreg.scid  }
0x8b: {  	s0 =	sand.u32 $0x1, s1  }
0x8c: {  	s16 =	sshll.u32 s0, $0xA;
	s2 =	sadd.s32 s3, s2  }
0x8d: {  	s2 =	sadd.s32 s2, s16  }
0x8e: {  	[smem:$0x3FBE] =	sst s2  }
0x8f: {  	_ = 	snop  }
0x90: {  	(tm) =	ssettm $0x1  }
0x91: {  	s17 =	sld [smem:$0x3FFB];
	_ =	sdelay $0x3  }
0x92: {  	_ =	strace s17  }
0x93: {  	s2 =	sld [smem:$0x3FFC];
	_ =	sdelay $0x3  }
0x94: {  	_ =	strace s2  }
0x95: {  	s2 =	sld [smem:$0x3FFD];
	_ =	sdelay $0x3  }
0x96: {  	_ =	strace s2  }
0x97: {  	_ =	strace $0x8FFFFFFF  }
0x98: {  	s18 =	sld [smem:$0x3FDB];
	_ =	sdelay $0x1  }
0x99: {  	s19 =	simm.s32 $_scs_section_size  }
0x9a: {  	s4 =	simm.s32 $_size__tile_overlayer_lowered;
	s5 =	simm.s32 $_tile_overlayer_lowered  }
0x9b: {  	s22 =	simm.s32 $0x1BFF;
	s21 =	sshll.u32 s5, $0x1;
	s2 =	sadd.s32 s19, s18  }
0x9c: {  	s6 =	simm.s32 $0x0;
	s20 =	sshll.u32 s4, $0x1;
	s4 =	sadd.s32 s21, s2  }
0x9d: {  	[timem:s6], [sflag:s22] =	dma.local [hbm:s4], s20  }
0x9e: {  	_ =	swait.ge [sflag:s22], s20  }
0x9f: {  	s3 =	ssub.s32 $0x0, s20;
	[sflag:s22] =	ssyncset.done $0x0  }
0xa0: {  	[sflag:s22] =	ssyncadd.s32 s3;
	_ =	sdelay $0x1  }
0xa1: {  	s23 =	simm.s32 $0x1B8B  }
0xa2: {  	_ =	swait.ge [sflag:s23], $0x1  }
0xa3: {  	[sflag:s23] =	ssyncset.done $0x0  }
0xa4: {  	s25 =	simm.s32 $0x1B8E;
	s24 =	sld [smem:$0x3FFE];
	[sflag:s23] =	ssyncadd.s32 $0xFFFFFFFF  }
0xa5: {  	s26 =	simm.s32 $execute0_lowered;
	[smem:$0x3FD2] =	sst s25  }
0xa6: {  	s4 =	sshll.u32 s26, $0x1;
	_ =	strace $0x80000046;
	[dreg:$0x1] =	wrdreg $0xFFFFFFFF  }
0xa7: {  	s28 =	simm.s32 $_size_execute0_lowered;
	s2 =	sadd.s32 s2, s4;
	[dreg:$0x0] =	wrdreg $0x0  }
0xa8: {  	s4 =	sshll.u32 s28, $0x1;
	[dreg:$0x2] =	wrdreg s2  }
0xa9: {  	[dreg:$0x3] =	wrdreg s4  }
0xaa: {  	[dreg:$0x4] =	wrdreg $0xC0  }
0xab: {  	_ =	task [dreg:s6], $0x5FFFF  }
0xac: {  	[dreg:$0x1] =	wrdreg $0xFFFFFFFF  }
0xad: {  	[dreg:$0x0] =	wrdreg $0x60  }
0xae: {  	[dreg:$0x2] =	wrdreg s24  }
0xaf: {  	[dreg:$0x3] =	wrdreg $0x68000  }
0xb0: {  	[dreg:$0x4] =	wrdreg $0x9  }
0xb1: {  	_ =	task.clear_ibuf [dreg:s6], $0x5FFFF;
	_ =	strace $0x90000046  }
0xb2: {  	s29 =	simm.s32 $0x9;
	_ =	strace $0x80000048  }
0xb3: {  	_ =	swait.ge [sflag:s29], $0x1  }
0xb4: {  	[sflag:s29] =	ssyncadd.s32 $0xFFFFFFFF  }
0xb5: {  	_ =	strace $0x90000048  }
0xb6: {  	_ =	sfence  }
0xb7: {  	s30 =	sld [smem:$0x0];
	_ =	sdelay $0x2  }
0xb8: {  	s31 =	sshll.u32 s1, $0xD;
	s1 =	sshrl.u32 s1, $0x2  }
0xb9: {  	s3 =	sand.u32 $0x4000, s31;
	s1 =	sadd.s32 s1, s30  }
0xba: {  	s0 =	sor.u32 s3, s0;
	s1 =	sshll.u32 s1, $0x11  }
0xbb: {  	s0 =	sor.u32 s1, s0  }
0xbc: {  	s0 =	sadd.s32 $0x8F2B, s0  }
0xbd: {  	[sflag:s0] =	ssyncadd.remote.s32 $0x1  }
0xbe: {  	_ =	sfence.sel $0xFFFF  }
0xbf: {  	[dreg:$0x0] =	wrdreg $0xFFFFFFFF;
	(pc) =	sbr.abs _section_cstart, $3  }
0xc0: {  	[dreg:$0x1] =	wrdreg $0xFFFFFFFF  }
0xc1: {  	_ =	task.clear_ibuf [dreg:s6], $0x2FFFF;
	_ =	strace $0x9FFFFFFF  }
0xc2: {  	(tm) =	ssettm $0x7FFFFFFF  }
0xc3: {  	_ =	shalt  }
tec
execute0_lowered:
.L_overlay_start_1:
0x0: {  	(tag) =	ssettag $0x1  }
0x1: {  	s0 =	srdreg.scid;
	s6 =	rddreg [dreg:$0x0]  }
0x2: {  	s2 =	rddreg [dreg:$0x1];
	s5 =	sand.u32 $0x1, s0;
	s0 =	stileid.u32  }
0x3: {  	s3 =	simm.s32 $0x0;
	s14 =	simm.s32 $0x0;
	s7 =	smul.u32 $0x14000, s0  }
0x4: {  	[smem:$0x7FF] =	sst s3;
	s1 =	sshll.u32 s5, $0x4;
	s8 =	smul.u32 $0x140000, s5  }
0x5: {  	s5 =	ssub.s32 $0x2, s5;
	s29 =	smul.u32 $0x50000, s0;
	s31 =	sshll.u32 s0, $0x6  }
0x6: {  	s4 =	sor.u32 s0, s1;
	s1 =	rddreg [dreg:$0x2];
	_ =	strace $0x80000047  }
0x7: {  	s11 =	sshrl.u32 s5, $0x1;
	s4 =	smul.u32 $0x500, s4;
	s10 =	sshrl.u32 s7, $0x3  }
0x8: {  	s7 =	sadd.s32 s7, s8;
	s11 =	ssub.s32 s5, s11;
	s30 =	sshrl.u32 s29, $0x2  }
0x9: {  	s10 =	sadd.s32 s10, s6;
	s7 =	sshrl.u32 s7, $0x3;
	s13 =	sadd.s32 s30, s2  }
0xa: {  	s9 =	sadd.s32 s4, s6;
	s4 =	sadd.s32 $0x3E600, s6;
	s12 =	sadd.s32 s7, s6  }
0xb: {  	s5 =	sadd.s32 $0x16600, s10;
	s6 =	sor.u32 $0x1C01, s31;
	s10 =	sshrl.u32 s13, $0x3  }
0xc: {  	s13 =	simm.s32 $0x80;
	s7 =	sadd.s32 $0xC600, s9;
	s8 =	sadd.s32 $0x3EE00, s12  }
0xd: {  	s9 =	smax.u32 s11, $0x1;
	s11 =	simm.s32 $0x1;
	s12 =	simm.s32 $0x2800  }
.LBB2_1:
0xe: {  	[spmem:s10], [sflag:s6] =	dma.local [hbm:s5], $0x2800  }
0xf: {  	_ =	swait.ge [sflag:s11], $0x2800  }
0x10: {  	[sflag:s11] =	ssyncset.done $0x0  }
0x11: {  	[sflag:s11] =	ssyncadd.s32 $0xFFFFD800  }
0x12: {  	[tilespmem:s3], [sflag:$0x1] =	stream.linear.gather [hbm4b:s7+s3], $0x2780, $0x38;
	[tilespmem:$0x1A800] =	vst v63  }
0x13: {  	_ =	swait.ge [sflag:s11], $0x2780  }
0x14: {  	[sflag:s11] =	ssyncset.done $0x0  }
0x15: {  	[sflag:s11] =	ssyncadd.s32 $0xFFFFD880  }
0x16: {  	[tilespmem:s12], [sflag:$0x1] =	stream.linear.gather [hbm4b:s4+s3], $0x4000, $0x38;
	[tilespmem:$0x1A800] =	vst v63  }
0x17: {  	_ =	swait.ge [sflag:s11], $0x4000  }
0x18: {  	[sflag:s11] =	ssyncset.done $0x0  }
0x19: {  	[sflag:s11] =	ssyncadd.s32 $0xFFFFC000  }
0x1a: {  	s15 =	simm.s32 $0x0;
	[bflag:$0x0] =	sbarrier.arrive $0xFFFF  }
0x1b: {  	[spmem:s2] =	stream.indirect.scatter.add.f32 [tilespmem:s12], [sflag:$0x1], $0x80, s15, s13, $0xb8;
	[tilespmem:$0x1A800] =	vst v63  }
0x1c: {  	_ =	swait.ge [sflag:s11], $0x4000  }
0x1d: {  	s15 =	simm.s32 $0x200;
	[sflag:s11] =	ssyncset.done $0x0  }
.LBB2_2:
0x1e: {  	s16 =	sshra.s32 s15, $0x2;
	[sflag:s11] =	ssyncadd.s32 $0xFFFFC000;
	p0 =	sne.s32 s15, $0x9C00  }
0x1f: {  	[spmem:s2] =	stream.indirect.scatter.add.f32 [tilespmem:s12], [sflag:$0x1], $0x80, s16, s13, $0xb8;
	[tilespmem:$0x1A800] =	vst v63  }
.Ltmp0:
0x20: {  	_ = 	snop;
	(pc) =	sbr.rel @p0 .LBB2_2-.Ltmp0, $4  }
0x21: {  	_ = 	snop  }
0x22: {  	s15 =	sadd.s32 $0x200, s15  }
0x23: {  	_ =	swait.ge [sflag:s11], $0x4000  }
0x24: {  	[sflag:s11] =	ssyncset.done $0x0  }
0x25: {  	s14 =	sadd.s32 $0x1, s14  }
0x26: {  	[sflag:s11] =	ssyncadd.s32 $0xFFFFC000;
	p0 =	sne.s32 s14, s9  }
.Ltmp1:
0x27: {  	[bflag:$0x0] =	sbarrier.arrive $0xFFFF;
	(pc) =	sbr.rel @p0 .LBB2_1-.Ltmp1, $4  }
0x28: {  	[hbm:s8], [sflag:s6] =	dma.local [spmem:s10], $0x2800  }
0x29: {  	_ =	swait.ge [sflag:s11], $0x2800  }
0x2a: {  	[sflag:s11] =	ssyncset.done $0x0  }
0x2b: {  	[sflag:s11] =	ssyncadd.s32 $0xFFFFD800  }
0x2c: {  	_ =	sfence.sel $0x180000  }
0x2d: {  	[bflag:$0x0] =	sbarrier.arrive $0xFFFF  }
0x2e: {  	p0 =	sne.s32 s0, $0x0;
	_ =	strace $0x90000047  }
0x2f: {  	s0 =	sadd.s32 @!p0 $0x100000, s1;
	[bflag:$0x2] =	sbarrier.arrive $0xFFFF  }
0x30: {  	[sflag:s0] =	ssyncadd.tile.s32 @!p0 $0x1;
	_ =	shalt  }
.Lfunc_end2:
_tile_overlayer_lowered:
.L_overlay_start_2:
0x31: {  	(tag) =	ssettag $0x2  }
0x32: {  	s0 =	rddreg [dreg:$0x0];
	s2 =	stileid.u32  }
0x33: {  	s1 =	rddreg [dreg:$0x1];
	p0 =	sne.s32 s2, $0x0  }
0x34: {  	s3 =	rddreg [dreg:$0x2];
	[bflag:$0x3] =	sbarrier.arrive $0xFFFF;
	s2 =	simm.s32 @!p0 $0x1C01  }
0x35: {  	[timem:s3], [sflag:s2] =	dma.local @!p0 [hbm:s0], s1  }
0x36: {  	s0 =	simm.s32 @!p0 $0x1  }
0x37: {  	_ =	swait.ge @!p0 [sflag:s0], s1  }
0x38: {  	s1 =	ssub.s32 @!p0 $0x0, s1;
	[sflag:s0] =	ssyncset.done @!p0 $0x0  }
0x39: {  	[sflag:s0] =	ssyncadd.s32 @!p0 s1  }
0x3a: {  	[bflag:$0x3] =	sbarrier.arrive $0xFFFF  }
0x3b: {  	_ =	shalt  }

// kernel: kernel.14.cloned.1.call-start
scs
__scs_entry_jumppad:
0x0: {  	(pc) =	sbr.rel $0x88, $3  }
0x1: {  	(tag) =	ssettag $0x0;
	lr =	simm.s32 $0x1  }
0x2: {  	[smem:$0x3F97] =	sst lr;
	_ =	strace $0xD0000000  }
0x3: {  	_ = 	snop  }
0x4: {  	_ = 	snop  }
0x5: {  	_ = 	snop  }
0x6: {  	_ = 	snop  }
0x7: {  	_ = 	snop  }
__scs_overlays_trampoline_lowered:
0x8: {  	[smem:$0x3FA6] =	sst s0  }
0x9: {  	[smem:$0x3FA7] =	sst s1  }
0xa: {  	[smem:$0x3FA8] =	sst s2  }
0xb: {  	[smem:$0x3FA9] =	sst s3  }
0xc: {  	[smem:$0x3FAA] =	sst s4  }
0xd: {  	[smem:$0x3FAB] =	sst s5  }
0xe: {  	[smem:$0x3FAC] =	sst s6  }
0xf: {  	[smem:$0x3FAD] =	sst s7  }
0x10: {  	[smem:$0x3FAE] =	sst s8  }
0x11: {  	[smem:$0x3FAF] =	sst s9;
	s0 =	simm.s32 @!p0 $0x0  }
0x12: {  	s1 =	sld [smem:$0x3F95];
	s0 =	simm.s32 @p0 $0x1  }
0x13: {  	[smem:$0x3FB0] =	sst s0;
	s0 =	simm.s32 @!p1 $0x0  }
0x14: {  	s2 =	sld [smem:$0x3F94];
	s0 =	simm.s32 @p1 $0x1  }
0x15: {  	[smem:$0x3FB1] =	sst s0;
	s0 =	simm.s32 @!p2 $0x0  }
0x16: {  	s3 =	sld [smem:$0x3FDB];
	s0 =	simm.s32 @p2 $0x1  }
0x17: {  	s4 =	simm.s32 $0x1BF5;
	[smem:$0x3FB3] =	sst s0  }
0x18: {  	s0 =	sld [smem:$0x3F96];
	_ =	swait.ge [sflag:s4], $0x0  }
0x19: {  	s7 =	sld [smem:$0x3F97]  }
0x1a: {  	s8 =	sadd.s32 $0xFFFFE003, lr  }
0x1b: {  	s9 =	sadd.s32 $0xFFFFFEF7, lr;
	s5 =	simm.s32 $0xFFFFFFFF;
	p2 =	slt.u32 s8, $0xFFFFF086  }
0x1c: {  	p1 =	slt.u32 s9, $0xF7A;
	s5 =	simm.s32 @!p2 $0x0  }
0x1d: {  	s5 =	simm.s32 @p1 $0x1;
	p0 =	seq.s32 s7, s2  }
0x1e: {  	s7 =	smul.u32 @!p0 $0xF7A, s2;
	p2 =	seq.s32 @!p0 s5, $0x0  }
0x1f: {  	s9 =	smul.u32 $0xF7A, s1;
	s8 =	simm.s32 @!p0 $0x1BF5;
	p2 =	por !p2, p0  }
0x20: {  	[sflag:s8] =	ssyncset.s32 @!p0 $0xFFFFF086;
	s6 =	sadd.s32 @!p0 s3, s7;
	s7 =	simm.s32 @!p0 $0x108  }
0x21: {  	s3 =	sadd.s32 s3, s9;
	s6 =	sadd.s32 @!p0 $0x88, s6;
	s7 =	simm.s32 @p2 $0x1082  }
0x22: {  	[simem:s7], [sflag:s8] =	dma.local @!p0 [hbm:s6], $0xF7A  }
0x23: {  	s9 =	sor.u32 $0xD0000000, s2;
	s6 =	simm.s32 $0x108;
	_ =	swait.ge @!p0 [sflag:s8], $0x0  }
0x24: {  	s3 =	sadd.s32 $0x88, s3;
	s6 =	simm.s32 @!p1 $0x1082;
	[sflag:s4] =	ssyncset.s32 $0xFFFFF086  }
0x25: {  	[simem:s6], [sflag:s4] =	dma.local [hbm:s3], $0xF7A  }
0x26: {  	[smem:$0x3F97] =	sst s1;
	(tag) =	ssettag s2;
	_ =	strace s9  }
0x27: {  	s1 =	sld [smem:$0x3FA7]  }
0x28: {  	s2 =	sld [smem:$0x3FA8]  }
0x29: {  	s4 =	sld [smem:$0x3FAA]  }
0x2a: {  	p0 =	seq.s32 s5, $0x0;
	s5 =	sld [smem:$0x3FAB]  }
0x2b: {  	s6 =	sld [smem:$0x3FAC]  }
0x2c: {  	s7 =	sld [smem:$0x3FAD]  }
0x2d: {  	s3 =	simm.s32 $0x108;
	s8 =	sld [smem:$0x3FAE]  }
0x2e: {  	s3 =	simm.s32 @!p0 $0x1082;
	s9 =	sld [smem:$0x3FAF]  }
0x2f: {  	lr =	sadd.s32 s0, s3;
	s0 =	sld [smem:$0x3FA6]  }
0x30: {  	s3 =	sld [smem:$0x3FA9]  }
0x31: {  	[smem:$0x3FB2] =	sst s10  }
0x32: {  	s10 =	sld [smem:$0x3FB0];
	_ =	sdelay $0x3  }
0x33: {  	p0 =	seq.s32 s10, $0x1;
	s10 =	sld [smem:$0x3FB2];
	_ =	sdelay $0x3  }
0x34: {  	[smem:$0x3FB2] =	sst s10  }
0x35: {  	s10 =	sld [smem:$0x3FB1];
	_ =	sdelay $0x3  }
0x36: {  	p1 =	seq.s32 s10, $0x1;
	s10 =	sld [smem:$0x3FB2];
	_ =	sdelay $0x3  }
0x37: {  	[smem:$0x3FB2] =	sst s10  }
0x38: {  	s10 =	sld [smem:$0x3FB3]  }
0x39: {  	_ = 	snop;
	(pc) =	sbr.ind lr, $3  }
0x3a: {  	_ = 	snop  }
0x3b: {  	_ = 	snop  }
0x3c: {  	p2 =	seq.s32 s10, $0x1;
	s10 =	sld [smem:$0x3FB2]  }
0x3d: {  	_ =	shalt  }
0x3e: {  	_ =	shalt  }
0x3f: {  	_ =	shalt  }
0x40: {  	_ =	shalt  }
0x41: {  	_ =	shalt  }
0x42: {  	_ =	shalt  }
0x43: {  	_ =	shalt  }
0x44: {  	_ =	shalt  }
0x45: {  	_ =	shalt  }
0x46: {  	_ =	shalt  }
0x47: {  	_ =	shalt  }
0x48: {  	_ =	shalt  }
0x49: {  	_ =	shalt  }
0x4a: {  	_ =	shalt  }
0x4b: {  	_ =	shalt  }
0x4c: {  	_ =	shalt  }
0x4d: {  	_ =	shalt  }
0x4e: {  	_ =	shalt  }
0x4f: {  	_ =	shalt  }
0x50: {  	_ =	shalt  }
0x51: {  	_ =	shalt  }
0x52: {  	_ =	shalt  }
0x53: {  	_ =	shalt  }
0x54: {  	_ =	shalt  }
0x55: {  	_ =	shalt  }
0x56: {  	_ =	shalt  }
0x57: {  	_ =	shalt  }
0x58: {  	_ =	shalt  }
0x59: {  	_ =	shalt  }
0x5a: {  	_ =	shalt  }
0x5b: {  	_ =	shalt  }
0x5c: {  	_ =	shalt  }
0x5d: {  	_ =	shalt  }
0x5e: {  	_ =	shalt  }
0x5f: {  	_ =	shalt  }
0x60: {  	_ =	shalt  }
0x61: {  	_ =	shalt  }
0x62: {  	_ =	shalt  }
0x63: {  	_ =	shalt  }
0x64: {  	_ =	shalt  }
0x65: {  	_ =	shalt  }
0x66: {  	_ =	shalt  }
0x67: {  	_ =	shalt  }
0x68: {  	_ =	shalt  }
0x69: {  	_ =	shalt  }
0x6a: {  	_ =	shalt  }
0x6b: {  	_ =	shalt  }
0x6c: {  	_ =	shalt  }
0x6d: {  	_ =	shalt  }
0x6e: {  	_ =	shalt  }
0x6f: {  	_ =	shalt  }
0x70: {  	_ =	shalt  }
0x71: {  	_ =	shalt  }
0x72: {  	_ =	shalt  }
0x73: {  	_ =	shalt  }
0x74: {  	_ =	shalt  }
0x75: {  	_ =	shalt  }
0x76: {  	_ =	shalt  }
0x77: {  	_ =	shalt  }
0x78: {  	_ =	shalt  }
0x79: {  	_ =	shalt  }
0x7a: {  	_ =	shalt  }
0x7b: {  	_ =	shalt  }
0x7c: {  	_ =	shalt  }
0x7d: {  	_ =	shalt  }
0x7e: {  	_ =	shalt  }
0x7f: {  	_ =	shalt  }
0x80: {  	_ =	shalt  }
0x81: {  	_ =	shalt  }
0x82: {  	_ =	shalt  }
0x83: {  	_ =	shalt  }
0x84: {  	_ =	shalt  }
0x85: {  	_ =	shalt  }
0x86: {  	_ =	shalt  }
0x87: {  	_ =	shalt  }
.Lfunc_end0:
.L_simem_size_0:
called_computation.1_lowered:
.L_overlay_start_0:
0x88: {  	s2 =	sld [smem:$0x3FD9]  }
0x89: {  	s3 =	sld [smem:$0x3FFE];
	_ =	sdelay $0x1  }
0x8a: {  	s1 =	srdreg.scid  }
0x8b: {  	s0 =	sand.u32 $0x1, s1  }
0x8c: {  	s16 =	sshll.u32 s0, $0xA;
	s2 =	sadd.s32 s3, s2  }
0x8d: {  	s2 =	sadd.s32 s2, s16  }
0x8e: {  	[smem:$0x3FBE] =	sst s2  }
0x8f: {  	_ = 	snop  }
0x90: {  	(tm) =	ssettm $0x1  }
0x91: {  	s17 =	sld [smem:$0x3FFB];
	_ =	sdelay $0x3  }
0x92: {  	_ =	strace s17  }
0x93: {  	s2 =	sld [smem:$0x3FFC];
	_ =	sdelay $0x3  }
0x94: {  	_ =	strace s2  }
0x95: {  	s2 =	sld [smem:$0x3FFD];
	_ =	sdelay $0x3  }
0x96: {  	_ =	strace s2  }
0x97: {  	_ =	strace $0x8FFFFFFF  }
0x98: {  	s18 =	sld [smem:$0x3FDB];
	_ =	sdelay $0x1  }
0x99: {  	s19 =	simm.s32 $_scs_section_size  }
0x9a: {  	s4 =	simm.s32 $_size__tile_overlayer_lowered;
	s5 =	simm.s32 $_tile_overlayer_lowered  }
0x9b: {  	s22 =	simm.s32 $0x1BFF;
	s21 =	sshll.u32 s5, $0x1;
	s2 =	sadd.s32 s19, s18  }
0x9c: {  	s6 =	simm.s32 $0x0;
	s20 =	sshll.u32 s4, $0x1;
	s4 =	sadd.s32 s21, s2  }
0x9d: {  	[timem:s6], [sflag:s22] =	dma.local [hbm:s4], s20  }
0x9e: {  	_ =	swait.ge [sflag:s22], s20  }
0x9f: {  	s3 =	ssub.s32 $0x0, s20;
	[sflag:s22] =	ssyncset.done $0x0  }
0xa0: {  	[sflag:s22] =	ssyncadd.s32 s3;
	_ =	sdelay $0x1  }
0xa1: {  	s23 =	simm.s32 $0x1B8B  }
0xa2: {  	_ =	swait.ge [sflag:s23], $0x1  }
0xa3: {  	[sflag:s23] =	ssyncset.done $0x0  }
0xa4: {  	s25 =	simm.s32 $0x1B8E;
	s24 =	sld [smem:$0x3FFE];
	[sflag:s23] =	ssyncadd.s32 $0xFFFFFFFF  }
0xa5: {  	s26 =	simm.s32 $execute0_lowered;
	[smem:$0x3FD2] =	sst s25  }
0xa6: {  	s4 =	sshll.u32 s26, $0x1;
	_ =	strace $0x80000049;
	[dreg:$0x1] =	wrdreg $0xFFFFFFFF  }
0xa7: {  	s28 =	simm.s32 $_size_execute0_lowered;
	s2 =	sadd.s32 s2, s4;
	[dreg:$0x0] =	wrdreg $0x0  }
0xa8: {  	s4 =	sshll.u32 s28, $0x1;
	[dreg:$0x2] =	wrdreg s2  }
0xa9: {  	[dreg:$0x3] =	wrdreg s4  }
0xaa: {  	[dreg:$0x4] =	wrdreg $0xC0  }
0xab: {  	_ =	task [dreg:s6], $0x5FFFF  }
0xac: {  	[dreg:$0x1] =	wrdreg $0xFFFFFFFF  }
0xad: {  	[dreg:$0x0] =	wrdreg $0x60  }
0xae: {  	[dreg:$0x2] =	wrdreg s24  }
0xaf: {  	[dreg:$0x3] =	wrdreg $0x90000  }
0xb0: {  	[dreg:$0x4] =	wrdreg $0x9  }
0xb1: {  	_ =	task.clear_ibuf [dreg:s6], $0x5FFFF;
	_ =	strace $0x90000049  }
0xb2: {  	s29 =	simm.s32 $0x9;
	_ =	strace $0x8000004B  }
0xb3: {  	_ =	swait.ge [sflag:s29], $0x1  }
0xb4: {  	[sflag:s29] =	ssyncadd.s32 $0xFFFFFFFF  }
0xb5: {  	_ =	strace $0x9000004B  }
0xb6: {  	_ =	sfence  }
0xb7: {  	s30 =	sld [smem:$0x0];
	_ =	sdelay $0x2  }
0xb8: {  	s31 =	sshll.u32 s1, $0xD;
	s1 =	sshrl.u32 s1, $0x2  }
0xb9: {  	s3 =	sand.u32 $0x4000, s31;
	s1 =	sadd.s32 s1, s30  }
0xba: {  	s0 =	sor.u32 s3, s0;
	s1 =	sshll.u32 s1, $0x11  }
0xbb: {  	s0 =	sor.u32 s1, s0  }
0xbc: {  	s0 =	sadd.s32 $0x8F2B, s0  }
0xbd: {  	[sflag:s0] =	ssyncadd.remote.s32 $0x1  }
0xbe: {  	_ =	sfence.sel $0xFFFF  }
0xbf: {  	[dreg:$0x0] =	wrdreg $0xFFFFFFFF;
	(pc) =	sbr.abs _section_cstart, $3  }
0xc0: {  	[dreg:$0x1] =	wrdreg $0xFFFFFFFF  }
0xc1: {  	_ =	task.clear_ibuf [dreg:s6], $0x2FFFF;
	_ =	strace $0x9FFFFFFF  }
0xc2: {  	(tm) =	ssettm $0x7FFFFFFF  }
0xc3: {  	_ =	shalt  }
tec
execute0_lowered:
.L_overlay_start_1:
0x0: {  	(tag) =	ssettag $0x1  }
0x1: {  	s0 =	srdreg.scid;
	s6 =	rddreg [dreg:$0x0]  }
0x2: {  	s2 =	rddreg [dreg:$0x1];
	s3 =	simm.s32 $0x0;
	s14 =	simm.s32 $0x80  }
0x3: {  	s15 =	simm.s32 $0x5000;
	s5 =	sand.u32 $0x1, s0;
	s0 =	stileid.u32  }
0x4: {  	s16 =	simm.s32 $0x1;
	s17 =	simm.s32 $0x0;
	s8 =	smul.u32 $0x14000, s0  }
0x5: {  	[smem:$0x7FF] =	sst s3;
	s1 =	sshll.u32 s5, $0x4;
	s9 =	smul.u32 $0x140000, s5  }
0x6: {  	s5 =	ssub.s32 $0x2, s5;
	s29 =	smul.u32 $0x50000, s0;
	s31 =	sshll.u32 s0, $0x6  }
0x7: {  	s4 =	sor.u32 s0, s1;
	s1 =	rddreg [dreg:$0x2];
	_ =	strace $0x8000004A  }
0x8: {  	s11 =	sshrl.u32 s5, $0x1;
	s7 =	smul.u32 $0x500, s4;
	s4 =	sadd.s32 $0xC0E00, s6  }
0x9: {  	s28 =	sshrl.u32 s8, $0x3;
	s8 =	sadd.s32 s8, s9;
	s30 =	sshrl.u32 s29, $0x2  }
0xa: {  	s11 =	ssub.s32 s5, s11;
	s8 =	sshrl.u32 s8, $0x3;
	s13 =	sadd.s32 s30, s2  }
0xb: {  	s10 =	sadd.s32 s7, s6;
	s7 =	sadd.s32 s28, s6;
	s12 =	sadd.s32 s8, s6  }
0xc: {  	s6 =	sor.u32 $0x1C02, s31;
	s5 =	sadd.s32 $0x16600, s7;
	s7 =	sadd.s32 $0xB6E00, s10  }
0xd: {  	s8 =	sadd.s32 $0xC600, s10;
	s9 =	sadd.s32 $0x3E600, s12;
	s10 =	smax.u32 s11, $0x1  }
0xe: {  	s11 =	sshrl.u32 s13, $0x3;
	s12 =	simm.s32 $0x2;
	s13 =	simm.s32 $0x2800  }
.LBB2_1:
0xf: {  	[spmem:s11], [sflag:s6] =	dma.local [hbm:s5], $0x2800  }
0x10: {  	_ =	swait.ge [sflag:s12], $0x2800  }
0x11: {  	[sflag:s12] =	ssyncset.done $0x0  }
0x12: {  	[sflag:s12] =	ssyncadd.s32 $0xFFFFD800  }
0x13: {  	[tilespmem:s3], [sflag:$0x2] =	stream.linear.gather [hbm4b:s7+s3], $0x2780, $0x38;
	[tilespmem:$0x1D000] =	vst v63  }
0x14: {  	_ =	swait.ge [sflag:s12], $0x2780  }
0x15: {  	[sflag:s12] =	ssyncset.done $0x0  }
0x16: {  	[sflag:s12] =	ssyncadd.s32 $0xFFFFD880  }
0x17: {  	[tilespmem:s13], [sflag:$0x2] =	stream.linear.gather [hbm4b:s8+s3], $0x2780, $0x38;
	[tilespmem:$0x1D000] =	vst v63  }
0x18: {  	_ =	swait.ge [sflag:s12], $0x2780  }
0x19: {  	[sflag:s12] =	ssyncset.done $0x0  }
0x1a: {  	[sflag:s12] =	ssyncadd.s32 $0xFFFFD880  }
0x1b: {  	s18 =	simm.s32 $0x0;
	[bflag:$0x0] =	sbarrier.arrive $0xFFFF  }
0x1c: {  	[tilespmem:s15], [sflag:$0x1] =	stream.indirect.gather [hbm4b:s4+s14], $0x80, s18, s14, $0xb8;
	[tilespmem:$0x1D000] =	vst v63  }
0x1d: {  	_ =	swait.ge [sflag:s16], $0x4000  }
0x1e: {  	[sflag:s16] =	ssyncset.done $0x0  }
0x1f: {  	s31 =	simm.s32 $0x2800;
	[sflag:s16] =	ssyncadd.s32 $0xFFFFC000  }
0x20: {  	[spmem:s2] =	stream.indirect.scatter.add.f32 [tilespmem:s15], [sflag:$0x2], $0x80, s31, s14, $0xb8;
	[tilespmem:$0x1D000] =	vst v63  }
0x21: {  	_ =	swait.ge [sflag:s12], $0x4000  }
0x22: {  	s19 =	simm.s32 $0x400;
	s18 =	simm.s32 $0x200;
	[sflag:s12] =	ssyncset.done $0x0  }
.LBB2_2:
0x23: {  	s20 =	sshra.s32 s18, $0x2  }
0x24: {  	[sflag:s12] =	ssyncadd.s32 $0xFFFFC000;
	s18 =	smov.u32 s19;
	s21 =	sadd.s32 $0x200, s19  }
0x25: {  	[tilespmem:s15], [sflag:$0x1] =	stream.indirect.gather [hbm4b:s4+s14], $0x80, s20, s14, $0xb8;
	[tilespmem:$0x1D000] =	vst v63  }
0x26: {  	p0 =	sne.s32 s19, $0x9C00;
	_ =	swait.ge [sflag:s16], $0x4000  }
.Ltmp0:
0x27: {  	[sflag:s16] =	ssyncset.done $0x0;
	(pc) =	sbr.rel @p0 .LBB2_2-.Ltmp0, $4  }
0x28: {  	s19 =	sadd.s32 $0x2800, s20;
	[sflag:s16] =	ssyncadd.s32 $0xFFFFC000  }
0x29: {  	[spmem:s2] =	stream.indirect.scatter.add.f32 [tilespmem:s15], [sflag:$0x2], $0x80, s19, s14, $0xb8;
	[tilespmem:$0x1D000] =	vst v63  }
0x2a: {  	_ =	swait.ge [sflag:s12], $0x4000  }
0x2b: {  	s19 =	smov.u32 s21;
	[sflag:s12] =	ssyncset.done $0x0  }
0x2c: {  	s18 =	sshra.s32 s18, $0x2;
	[sflag:s12] =	ssyncadd.s32 $0xFFFFC000  }
0x2d: {  	[tilespmem:s15], [sflag:$0x1] =	stream.indirect.gather [hbm4b:s4+s14], $0x80, s18, s14, $0xb8;
	[tilespmem:$0x1D000] =	vst v63  }
0x2e: {  	_ =	swait.ge [sflag:s16], $0x4000  }
0x2f: {  	[sflag:s16] =	ssyncset.done $0x0  }
0x30: {  	s18 =	sadd.s32 $0x2800, s18;
	[sflag:s16] =	ssyncadd.s32 $0xFFFFC000  }
0x31: {  	[spmem:s2] =	stream.indirect.scatter.add.f32 [tilespmem:s15], [sflag:$0x2], $0x80, s18, s14, $0xb8;
	[tilespmem:$0x1D000] =	vst v63  }
0x32: {  	_ =	swait.ge [sflag:s12], $0x4000  }
0x33: {  	s17 =	sadd.s32 $0x1, s17;
	[sflag:s12] =	ssyncset.done $0x0  }
0x34: {  	p0 =	sne.s32 s17, s10;
	[sflag:s12] =	ssyncadd.s32 $0xFFFFC000  }
.Ltmp1:
0x35: {  	[bflag:$0x0] =	sbarrier.arrive $0xFFFF;
	(pc) =	sbr.rel @p0 .LBB2_1-.Ltmp1, $4  }
0x36: {  	[hbm:s9], [sflag:s6] =	dma.local [spmem:s11], $0x2800  }
0x37: {  	_ =	swait.ge [sflag:s12], $0x2800  }
0x38: {  	[sflag:s12] =	ssyncset.done $0x0  }
0x39: {  	[sflag:s12] =	ssyncadd.s32 $0xFFFFD800  }
0x3a: {  	_ =	sfence.sel $0x180000  }
0x3b: {  	[bflag:$0x0] =	sbarrier.arrive $0xFFFF  }
0x3c: {  	p0 =	sne.s32 s0, $0x0;
	_ =	strace $0x9000004A  }
0x3d: {  	s0 =	sadd.s32 @!p0 $0x100000, s1;
	[bflag:$0x2] =	sbarrier.arrive $0xFFFF  }
0x3e: {  	[sflag:s0] =	ssyncadd.tile.s32 @!p0 $0x1;
	_ =	shalt  }
.Lfunc_end2:
_tile_overlayer_lowered:
.L_overlay_start_2:
0x3f: {  	(tag) =	ssettag $0x2  }
0x40: {  	s0 =	rddreg [dreg:$0x0];
	s2 =	stileid.u32  }
0x41: {  	s1 =	rddreg [dreg:$0x1];
	p0 =	sne.s32 s2, $0x0  }
0x42: {  	s3 =	rddreg [dreg:$0x2];
	[bflag:$0x3] =	sbarrier.arrive $0xFFFF;
	s2 =	simm.s32 @!p0 $0x1C02  }
0x43: {  	[timem:s3], [sflag:s2] =	dma.local @!p0 [hbm:s0], s1  }
0x44: {  	s0 =	simm.s32 @!p0 $0x2  }
0x45: {  	_ =	swait.ge @!p0 [sflag:s0], s1  }
0x46: {  	s1 =	ssub.s32 @!p0 $0x0, s1;
	[sflag:s0] =	ssyncset.done @!p0 $0x0  }
0x47: {  	[sflag:s0] =	ssyncadd.s32 @!p0 s1  }
0x48: {  	[bflag:$0x3] =	sbarrier.arrive $0xFFFF  }
0x49: {  	_ =	shalt  }

// kernel: kernel.17.cloned.1.call-start
scs
__scs_entry_jumppad:
0x0: {  	(pc) =	sbr.rel $0x88, $3  }
0x1: {  	(tag) =	ssettag $0x0;
	lr =	simm.s32 $0x1  }
0x2: {  	[smem:$0x3F97] =	sst lr;
	_ =	strace $0xD0000000  }
0x3: {  	_ = 	snop  }
0x4: {  	_ = 	snop  }
0x5: {  	_ = 	snop  }
0x6: {  	_ = 	snop  }
0x7: {  	_ = 	snop  }
__scs_overlays_trampoline_lowered:
0x8: {  	[smem:$0x3FA6] =	sst s0  }
0x9: {  	[smem:$0x3FA7] =	sst s1  }
0xa: {  	[smem:$0x3FA8] =	sst s2  }
0xb: {  	[smem:$0x3FA9] =	sst s3  }
0xc: {  	[smem:$0x3FAA] =	sst s4  }
0xd: {  	[smem:$0x3FAB] =	sst s5  }
0xe: {  	[smem:$0x3FAC] =	sst s6  }
0xf: {  	[smem:$0x3FAD] =	sst s7  }
0x10: {  	[smem:$0x3FAE] =	sst s8  }
0x11: {  	[smem:$0x3FAF] =	sst s9;
	s0 =	simm.s32 @!p0 $0x0  }
0x12: {  	s1 =	sld [smem:$0x3F95];
	s0 =	simm.s32 @p0 $0x1  }
0x13: {  	[smem:$0x3FB0] =	sst s0;
	s0 =	simm.s32 @!p1 $0x0  }
0x14: {  	s2 =	sld [smem:$0x3F94];
	s0 =	simm.s32 @p1 $0x1  }
0x15: {  	[smem:$0x3FB1] =	sst s0;
	s0 =	simm.s32 @!p2 $0x0  }
0x16: {  	s3 =	sld [smem:$0x3FDB];
	s0 =	simm.s32 @p2 $0x1  }
0x17: {  	s4 =	simm.s32 $0x1BF5;
	[smem:$0x3FB3] =	sst s0  }
0x18: {  	s0 =	sld [smem:$0x3F96];
	_ =	swait.ge [sflag:s4], $0x0  }
0x19: {  	s7 =	sld [smem:$0x3F97]  }
0x1a: {  	s8 =	sadd.s32 $0xFFFFE003, lr  }
0x1b: {  	s9 =	sadd.s32 $0xFFFFFEF7, lr;
	s5 =	simm.s32 $0xFFFFFFFF;
	p2 =	slt.u32 s8, $0xFFFFF086  }
0x1c: {  	p1 =	slt.u32 s9, $0xF7A;
	s5 =	simm.s32 @!p2 $0x0  }
0x1d: {  	s5 =	simm.s32 @p1 $0x1;
	p0 =	seq.s32 s7, s2  }
0x1e: {  	s7 =	smul.u32 @!p0 $0xF7A, s2;
	p2 =	seq.s32 @!p0 s5, $0x0  }
0x1f: {  	s9 =	smul.u32 $0xF7A, s1;
	s8 =	simm.s32 @!p0 $0x1BF5;
	p2 =	por !p2, p0  }
0x20: {  	[sflag:s8] =	ssyncset.s32 @!p0 $0xFFFFF086;
	s6 =	sadd.s32 @!p0 s3, s7;
	s7 =	simm.s32 @!p0 $0x108  }
0x21: {  	s3 =	sadd.s32 s3, s9;
	s6 =	sadd.s32 @!p0 $0x88, s6;
	s7 =	simm.s32 @p2 $0x1082  }
0x22: {  	[simem:s7], [sflag:s8] =	dma.local @!p0 [hbm:s6], $0xF7A  }
0x23: {  	s9 =	sor.u32 $0xD0000000, s2;
	s6 =	simm.s32 $0x108;
	_ =	swait.ge @!p0 [sflag:s8], $0x0  }
0x24: {  	s3 =	sadd.s32 $0x88, s3;
	s6 =	simm.s32 @!p1 $0x1082;
	[sflag:s4] =	ssyncset.s32 $0xFFFFF086  }
0x25: {  	[simem:s6], [sflag:s4] =	dma.local [hbm:s3], $0xF7A  }
0x26: {  	[smem:$0x3F97] =	sst s1;
	(tag) =	ssettag s2;
	_ =	strace s9  }
0x27: {  	s1 =	sld [smem:$0x3FA7]  }
0x28: {  	s2 =	sld [smem:$0x3FA8]  }
0x29: {  	s4 =	sld [smem:$0x3FAA]  }
0x2a: {  	p0 =	seq.s32 s5, $0x0;
	s5 =	sld [smem:$0x3FAB]  }
0x2b: {  	s6 =	sld [smem:$0x3FAC]  }
0x2c: {  	s7 =	sld [smem:$0x3FAD]  }
0x2d: {  	s3 =	simm.s32 $0x108;
	s8 =	sld [smem:$0x3FAE]  }
0x2e: {  	s3 =	simm.s32 @!p0 $0x1082;
	s9 =	sld [smem:$0x3FAF]  }
0x2f: {  	lr =	sadd.s32 s0, s3;
	s0 =	sld [smem:$0x3FA6]  }
0x30: {  	s3 =	sld [smem:$0x3FA9]  }
0x31: {  	[smem:$0x3FB2] =	sst s10  }
0x32: {  	s10 =	sld [smem:$0x3FB0];
	_ =	sdelay $0x3  }
0x33: {  	p0 =	seq.s32 s10, $0x1;
	s10 =	sld [smem:$0x3FB2];
	_ =	sdelay $0x3  }
0x34: {  	[smem:$0x3FB2] =	sst s10  }
0x35: {  	s10 =	sld [smem:$0x3FB1];
	_ =	sdelay $0x3  }
0x36: {  	p1 =	seq.s32 s10, $0x1;
	s10 =	sld [smem:$0x3FB2];
	_ =	sdelay $0x3  }
0x37: {  	[smem:$0x3FB2] =	sst s10  }
0x38: {  	s10 =	sld [smem:$0x3FB3]  }
0x39: {  	_ = 	snop;
	(pc) =	sbr.ind lr, $3  }
0x3a: {  	_ = 	snop  }
0x3b: {  	_ = 	snop  }
0x3c: {  	p2 =	seq.s32 s10, $0x1;
	s10 =	sld [smem:$0x3FB2]  }
0x3d: {  	_ =	shalt  }
0x3e: {  	_ =	shalt  }
0x3f: {  	_ =	shalt  }
0x40: {  	_ =	shalt  }
0x41: {  	_ =	shalt  }
0x42: {  	_ =	shalt  }
0x43: {  	_ =	shalt  }
0x44: {  	_ =	shalt  }
0x45: {  	_ =	shalt  }
0x46: {  	_ =	shalt  }
0x47: {  	_ =	shalt  }
0x48: {  	_ =	shalt  }
0x49: {  	_ =	shalt  }
0x4a: {  	_ =	shalt  }
0x4b: {  	_ =	shalt  }
0x4c: {  	_ =	shalt  }
0x4d: {  	_ =	shalt  }
0x4e: {  	_ =	shalt  }
0x4f: {  	_ =	shalt  }
0x50: {  	_ =	shalt  }
0x51: {  	_ =	shalt  }
0x52: {  	_ =	shalt  }
0x53: {  	_ =	shalt  }
0x54: {  	_ =	shalt  }
0x55: {  	_ =	shalt  }
0x56: {  	_ =	shalt  }
0x57: {  	_ =	shalt  }
0x58: {  	_ =	shalt  }
0x59: {  	_ =	shalt  }
0x5a: {  	_ =	shalt  }
0x5b: {  	_ =	shalt  }
0x5c: {  	_ =	shalt  }
0x5d: {  	_ =	shalt  }
0x5e: {  	_ =	shalt  }
0x5f: {  	_ =	shalt  }
0x60: {  	_ =	shalt  }
0x61: {  	_ =	shalt  }
0x62: {  	_ =	shalt  }
0x63: {  	_ =	shalt  }
0x64: {  	_ =	shalt  }
0x65: {  	_ =	shalt  }
0x66: {  	_ =	shalt  }
0x67: {  	_ =	shalt  }
0x68: {  	_ =	shalt  }
0x69: {  	_ =	shalt  }
0x6a: {  	_ =	shalt  }
0x6b: {  	_ =	shalt  }
0x6c: {  	_ =	shalt  }
0x6d: {  	_ =	shalt  }
0x6e: {  	_ =	shalt  }
0x6f: {  	_ =	shalt  }
0x70: {  	_ =	shalt  }
0x71: {  	_ =	shalt  }
0x72: {  	_ =	shalt  }
0x73: {  	_ =	shalt  }
0x74: {  	_ =	shalt  }
0x75: {  	_ =	shalt  }
0x76: {  	_ =	shalt  }
0x77: {  	_ =	shalt  }
0x78: {  	_ =	shalt  }
0x79: {  	_ =	shalt  }
0x7a: {  	_ =	shalt  }
0x7b: {  	_ =	shalt  }
0x7c: {  	_ =	shalt  }
0x7d: {  	_ =	shalt  }
0x7e: {  	_ =	shalt  }
0x7f: {  	_ =	shalt  }
0x80: {  	_ =	shalt  }
0x81: {  	_ =	shalt  }
0x82: {  	_ =	shalt  }
0x83: {  	_ =	shalt  }
0x84: {  	_ =	shalt  }
0x85: {  	_ =	shalt  }
0x86: {  	_ =	shalt  }
0x87: {  	_ =	shalt  }
.Lfunc_end0:
.L_simem_size_0:
called_computation.2_lowered:
.L_overlay_start_0:
0x88: {  	s2 =	sld [smem:$0x3FD9]  }
0x89: {  	s3 =	sld [smem:$0x3FFE];
	_ =	sdelay $0x1  }
0x8a: {  	s1 =	srdreg.scid  }
0x8b: {  	s0 =	sand.u32 $0x1, s1  }
0x8c: {  	s16 =	sshll.u32 s0, $0xA;
	s2 =	sadd.s32 s3, s2  }
0x8d: {  	s2 =	sadd.s32 s2, s16  }
0x8e: {  	[smem:$0x3FBE] =	sst s2  }
0x8f: {  	_ = 	snop  }
0x90: {  	(tm) =	ssettm $0x1  }
0x91: {  	s17 =	sld [smem:$0x3FFB];
	_ =	sdelay $0x3  }
0x92: {  	_ =	strace s17  }
0x93: {  	s2 =	sld [smem:$0x3FFC];
	_ =	sdelay $0x3  }
0x94: {  	_ =	strace s2  }
0x95: {  	s2 =	sld [smem:$0x3FFD];
	_ =	sdelay $0x3  }
0x96: {  	_ =	strace s2  }
0x97: {  	_ =	strace $0x8FFFFFFF  }
0x98: {  	s18 =	sld [smem:$0x3FDB];
	_ =	sdelay $0x1  }
0x99: {  	s19 =	simm.s32 $_scs_section_size  }
0x9a: {  	s4 =	simm.s32 $_size__tile_overlayer_lowered;
	s5 =	simm.s32 $_tile_overlayer_lowered  }
0x9b: {  	s22 =	simm.s32 $0x1BFF;
	s21 =	sshll.u32 s5, $0x1;
	s2 =	sadd.s32 s19, s18  }
0x9c: {  	s6 =	simm.s32 $0x0;
	s20 =	sshll.u32 s4, $0x1;
	s4 =	sadd.s32 s21, s2  }
0x9d: {  	[timem:s6], [sflag:s22] =	dma.local [hbm:s4], s20  }
0x9e: {  	_ =	swait.ge [sflag:s22], s20  }
0x9f: {  	s3 =	ssub.s32 $0x0, s20;
	[sflag:s22] =	ssyncset.done $0x0  }
0xa0: {  	[sflag:s22] =	ssyncadd.s32 s3;
	_ =	sdelay $0x1  }
0xa1: {  	s23 =	simm.s32 $0x1B8B  }
0xa2: {  	_ =	swait.ge [sflag:s23], $0x1  }
0xa3: {  	[sflag:s23] =	ssyncset.done $0x0  }
0xa4: {  	s25 =	simm.s32 $0x1B8E;
	s24 =	sld [smem:$0x3FFE];
	[sflag:s23] =	ssyncadd.s32 $0xFFFFFFFF  }
0xa5: {  	s26 =	simm.s32 $execute0_lowered;
	[smem:$0x3FD2] =	sst s25  }
0xa6: {  	s4 =	sshll.u32 s26, $0x1;
	_ =	strace $0x8000004C;
	[dreg:$0x1] =	wrdreg $0xFFFFFFFF  }
0xa7: {  	s28 =	simm.s32 $_size_execute0_lowered;
	s2 =	sadd.s32 s2, s4;
	[dreg:$0x0] =	wrdreg $0x0  }
0xa8: {  	s4 =	sshll.u32 s28, $0x1;
	[dreg:$0x2] =	wrdreg s2  }
0xa9: {  	[dreg:$0x3] =	wrdreg s4  }
0xaa: {  	[dreg:$0x4] =	wrdreg $0xC0  }
0xab: {  	_ =	task [dreg:s6], $0x5FFFF  }
0xac: {  	[dreg:$0x1] =	wrdreg $0xFFFFFFFF  }
0xad: {  	[dreg:$0x0] =	wrdreg $0x60  }
0xae: {  	[dreg:$0x2] =	wrdreg s24  }
0xaf: {  	[dreg:$0x3] =	wrdreg $0x90000  }
0xb0: {  	[dreg:$0x4] =	wrdreg $0x9  }
0xb1: {  	_ =	task.clear_ibuf [dreg:s6], $0x5FFFF;
	_ =	strace $0x9000004C  }
0xb2: {  	s29 =	simm.s32 $0x9;
	_ =	strace $0x8000004E  }
0xb3: {  	_ =	swait.ge [sflag:s29], $0x1  }
0xb4: {  	[sflag:s29] =	ssyncadd.s32 $0xFFFFFFFF  }
0xb5: {  	_ =	strace $0x9000004E  }
0xb6: {  	_ =	sfence  }
0xb7: {  	s30 =	sld [smem:$0x0];
	_ =	sdelay $0x2  }
0xb8: {  	s31 =	sshll.u32 s1, $0xD;
	s1 =	sshrl.u32 s1, $0x2  }
0xb9: {  	s3 =	sand.u32 $0x4000, s31;
	s1 =	sadd.s32 s1, s30  }
0xba: {  	s0 =	sor.u32 s3, s0;
	s1 =	sshll.u32 s1, $0x11  }
0xbb: {  	s0 =	sor.u32 s1, s0  }
0xbc: {  	s0 =	sadd.s32 $0x8F2B, s0  }
0xbd: {  	[sflag:s0] =	ssyncadd.remote.s32 $0x1  }
0xbe: {  	_ =	sfence.sel $0xFFFF  }
0xbf: {  	[dreg:$0x0] =	wrdreg $0xFFFFFFFF;
	(pc) =	sbr.abs _section_cstart, $3  }
0xc0: {  	[dreg:$0x1] =	wrdreg $0xFFFFFFFF  }
0xc1: {  	_ =	task.clear_ibuf [dreg:s6], $0x2FFFF;
	_ =	strace $0x9FFFFFFF  }
0xc2: {  	(tm) =	ssettm $0x7FFFFFFF  }
0xc3: {  	_ =	shalt  }
tec
execute0_lowered:
.L_overlay_start_1:
0x0: {  	(tag) =	ssettag $0x1  }
0x1: {  	s0 =	srdreg.scid;
	s6 =	rddreg [dreg:$0x0]  }
0x2: {  	s2 =	rddreg [dreg:$0x1];
	s3 =	simm.s32 $0x0;
	s14 =	simm.s32 $0x80  }
0x3: {  	s15 =	simm.s32 $0x5000;
	s5 =	sand.u32 $0x1, s0;
	s0 =	stileid.u32  }
0x4: {  	s16 =	simm.s32 $0x1;
	s17 =	simm.s32 $0x0;
	s8 =	smul.u32 $0x14000, s0  }
0x5: {  	[smem:$0x7FF] =	sst s3;
	s1 =	sshll.u32 s5, $0x4;
	s9 =	smul.u32 $0x140000, s5  }
0x6: {  	s5 =	ssub.s32 $0x2, s5;
	s29 =	smul.u32 $0x50000, s0;
	s31 =	sshll.u32 s0, $0x6  }
0x7: {  	s4 =	sor.u32 s0, s1;
	s1 =	rddreg [dreg:$0x2];
	_ =	strace $0x8000004D  }
0x8: {  	s11 =	sshrl.u32 s5, $0x1;
	s7 =	smul.u32 $0x500, s4;
	s4 =	sadd.s32 $0xC0E00, s6  }
0x9: {  	s28 =	sshrl.u32 s8, $0x3;
	s8 =	sadd.s32 s8, s9;
	s30 =	sshrl.u32 s29, $0x2  }
0xa: {  	s11 =	ssub.s32 s5, s11;
	s8 =	sshrl.u32 s8, $0x3;
	s13 =	sadd.s32 s30, s2  }
0xb: {  	s10 =	sadd.s32 s7, s6;
	s7 =	sadd.s32 s28, s6;
	s12 =	sadd.s32 s8, s6  }
0xc: {  	s6 =	sor.u32 $0x1C02, s31;
	s5 =	sadd.s32 $0x16600, s7;
	s7 =	sadd.s32 $0xB6E00, s10  }
0xd: {  	s8 =	sadd.s32 $0xC600, s10;
	s9 =	sadd.s32 $0x3E600, s12;
	s10 =	smax.u32 s11, $0x1  }
0xe: {  	s11 =	sshrl.u32 s13, $0x3;
	s12 =	simm.s32 $0x2;
	s13 =	simm.s32 $0x2800  }
.LBB2_1:
0xf: {  	[spmem:s11], [sflag:s6] =	dma.local [hbm:s5], $0x2800  }
0x10: {  	_ =	swait.ge [sflag:s12], $0x2800  }
0x11: {  	[sflag:s12] =	ssyncset.done $0x0  }
0x12: {  	[sflag:s12] =	ssyncadd.s32 $0xFFFFD800  }
0x13: {  	[tilespmem:s3], [sflag:$0x2] =	stream.linear.gather [hbm4b:s7+s3], $0x2780, $0x38;
	[tilespmem:$0x1D000] =	vst v63  }
0x14: {  	_ =	swait.ge [sflag:s12], $0x2780  }
0x15: {  	[sflag:s12] =	ssyncset.done $0x0  }
0x16: {  	[sflag:s12] =	ssyncadd.s32 $0xFFFFD880  }
0x17: {  	[tilespmem:s13], [sflag:$0x2] =	stream.linear.gather [hbm4b:s8+s3], $0x2780, $0x38;
	[tilespmem:$0x1D000] =	vst v63  }
0x18: {  	_ =	swait.ge [sflag:s12], $0x2780  }
0x19: {  	[sflag:s12] =	ssyncset.done $0x0  }
0x1a: {  	[sflag:s12] =	ssyncadd.s32 $0xFFFFD880  }
0x1b: {  	s18 =	simm.s32 $0x0;
	[bflag:$0x0] =	sbarrier.arrive $0xFFFF  }
0x1c: {  	[tilespmem:s15], [sflag:$0x1] =	stream.indirect.gather [hbm4b:s4+s14], $0x80, s18, s14, $0xb8;
	[tilespmem:$0x1D000] =	vst v63  }
0x1d: {  	_ =	swait.ge [sflag:s16], $0x4000  }
0x1e: {  	[sflag:s16] =	ssyncset.done $0x0  }
0x1f: {  	s31 =	simm.s32 $0x2800;
	[sflag:s16] =	ssyncadd.s32 $0xFFFFC000  }
0x20: {  	[spmem:s2] =	stream.indirect.scatter.add.f32 [tilespmem:s15], [sflag:$0x2], $0x80, s31, s14, $0xb8;
	[tilespmem:$0x1D000] =	vst v63  }
0x21: {  	_ =	swait.ge [sflag:s12], $0x4000  }
0x22: {  	s19 =	simm.s32 $0x400;
	s18 =	simm.s32 $0x200;
	[sflag:s12] =	ssyncset.done $0x0  }
.LBB2_2:
0x23: {  	s20 =	sshra.s32 s18, $0x2  }
0x24: {  	[sflag:s12] =	ssyncadd.s32 $0xFFFFC000;
	s18 =	smov.u32 s19;
	s21 =	sadd.s32 $0x200, s19  }
0x25: {  	[tilespmem:s15], [sflag:$0x1] =	stream.indirect.gather [hbm4b:s4+s14], $0x80, s20, s14, $0xb8;
	[tilespmem:$0x1D000] =	vst v63  }
0x26: {  	p0 =	sne.s32 s19, $0x9C00;
	_ =	swait.ge [sflag:s16], $0x4000  }
.Ltmp0:
0x27: {  	[sflag:s16] =	ssyncset.done $0x0;
	(pc) =	sbr.rel @p0 .LBB2_2-.Ltmp0, $4  }
0x28: {  	s19 =	sadd.s32 $0x2800, s20;
	[sflag:s16] =	ssyncadd.s32 $0xFFFFC000  }
0x29: {  	[spmem:s2] =	stream.indirect.scatter.add.f32 [tilespmem:s15], [sflag:$0x2], $0x80, s19, s14, $0xb8;
	[tilespmem:$0x1D000] =	vst v63  }
0x2a: {  	_ =	swait.ge [sflag:s12], $0x4000  }
0x2b: {  	s19 =	smov.u32 s21;
	[sflag:s12] =	ssyncset.done $0x0  }
0x2c: {  	s18 =	sshra.s32 s18, $0x2;
	[sflag:s12] =	ssyncadd.s32 $0xFFFFC000  }
0x2d: {  	[tilespmem:s15], [sflag:$0x1] =	stream.indirect.gather [hbm4b:s4+s14], $0x80, s18, s14, $0xb8;
	[tilespmem:$0x1D000] =	vst v63  }
0x2e: {  	_ =	swait.ge [sflag:s16], $0x4000  }
0x2f: {  	[sflag:s16] =	ssyncset.done $0x0  }
0x30: {  	s18 =	sadd.s32 $0x2800, s18;
	[sflag:s16] =	ssyncadd.s32 $0xFFFFC000  }
0x31: {  	[spmem:s2] =	stream.indirect.scatter.add.f32 [tilespmem:s15], [sflag:$0x2], $0x80, s18, s14, $0xb8;
	[tilespmem:$0x1D000] =	vst v63  }
0x32: {  	_ =	swait.ge [sflag:s12], $0x4000  }
0x33: {  	s17 =	sadd.s32 $0x1, s17;
	[sflag:s12] =	ssyncset.done $0x0  }
0x34: {  	p0 =	sne.s32 s17, s10;
	[sflag:s12] =	ssyncadd.s32 $0xFFFFC000  }
.Ltmp1:
0x35: {  	[bflag:$0x0] =	sbarrier.arrive $0xFFFF;
	(pc) =	sbr.rel @p0 .LBB2_1-.Ltmp1, $4  }
0x36: {  	[hbm:s9], [sflag:s6] =	dma.local [spmem:s11], $0x2800  }
0x37: {  	_ =	swait.ge [sflag:s12], $0x2800  }
0x38: {  	[sflag:s12] =	ssyncset.done $0x0  }
0x39: {  	[sflag:s12] =	ssyncadd.s32 $0xFFFFD800  }
0x3a: {  	_ =	sfence.sel $0x180000  }
0x3b: {  	[bflag:$0x0] =	sbarrier.arrive $0xFFFF  }
0x3c: {  	p0 =	sne.s32 s0, $0x0;
	_ =	strace $0x9000004D  }
0x3d: {  	s0 =	sadd.s32 @!p0 $0x100000, s1;
	[bflag:$0x2] =	sbarrier.arrive $0xFFFF  }
0x3e: {  	[sflag:s0] =	ssyncadd.tile.s32 @!p0 $0x1;
	_ =	shalt  }
.Lfunc_end2:
_tile_overlayer_lowered:
.L_overlay_start_2:
0x3f: {  	(tag) =	ssettag $0x2  }
0x40: {  	s0 =	rddreg [dreg:$0x0];
	s2 =	stileid.u32  }
0x41: {  	s1 =	rddreg [dreg:$0x1];
	p0 =	sne.s32 s2, $0x0  }
0x42: {  	s3 =	rddreg [dreg:$0x2];
	[bflag:$0x3] =	sbarrier.arrive $0xFFFF;
	s2 =	simm.s32 @!p0 $0x1C02  }
0x43: {  	[timem:s3], [sflag:s2] =	dma.local @!p0 [hbm:s0], s1  }
0x44: {  	s0 =	simm.s32 @!p0 $0x2  }
0x45: {  	_ =	swait.ge @!p0 [sflag:s0], s1  }
0x46: {  	s1 =	ssub.s32 @!p0 $0x0, s1;
	[sflag:s0] =	ssyncset.done @!p0 $0x0  }
0x47: {  	[sflag:s0] =	ssyncadd.s32 @!p0 s1  }
0x48: {  	[bflag:$0x3] =	sbarrier.arrive $0xFFFF  }
0x49: {  	_ =	shalt  }

</sc_bundles>
